<compile_context>
chip_gen: v7x
topology: tpu7x:2x2x1
jax: 0.10.2.dev20260603
libtpu: 0.0.44.dev20260713+nightly
codegen_flags: <defaults>
</compile_context>

<pallas_src>
import jax
import jax.numpy as jnp
from jax.experimental import pallas as pl

EPS = 1e-5


def _knn(x, k):
    xt = jnp.transpose(x, (0, 2, 1))
    sq = jnp.sum(xt * xt, axis=-1)
    inner = jnp.einsum('bnc,bmc->bnm', xt, xt)
    dist = sq[:, :, None] - 2.0 * inner + sq[:, None, :]
    _, idx = jax.lax.top_k(-dist, k)
    return idx


def _get_graph_feature(x, k):
    B, C, N = x.shape
    idx = _knn(x, k)
    xt = jnp.transpose(x, (0, 2, 1))
    feature = jax.vmap(lambda a, i: a[i])(xt, idx)
    xc = jnp.broadcast_to(xt[:, :, None, :], (B, N, k, C))
    feat = jnp.concatenate([feature - xc, xc], axis=-1)
    return jnp.transpose(feat, (0, 3, 1, 2))


def _bn2d(x, g, b):
    m = jnp.mean(x, axis=(0, 2, 3), keepdims=True)
    v = jnp.mean((x - m) ** 2, axis=(0, 2, 3), keepdims=True)
    return (x - m) / jnp.sqrt(v + EPS) * g[None, :, None, None] + b[None, :, None, None]


def _conv_block(x, W, g, b):
    y = jnp.einsum('oi,binm->bonm', W, x)
    y = _bn2d(y, g, b)
    return jnp.where(y >= 0, y, 0.2 * y)


def _proj_kernel(xc_ref, w_ref, o_ref):
    o_ref[0] = jnp.dot(w_ref[...], xc_ref[0],
                       preferred_element_type=jnp.float32)


def kernel(x, W1, W2, W3, W4, W5, g1, b1, g2, b2, g3, b3, g4, b4):
    k = 40
    f = _get_graph_feature(x, k)
    x1 = jnp.max(_conv_block(f, W1, g1, b1), axis=-1)
    f = _get_graph_feature(x1, k)
    x2 = jnp.max(_conv_block(f, W2, g2, b2), axis=-1) + x1
    f = _get_graph_feature(x2, k)
    x3 = jnp.max(_conv_block(f, W3, g3, b3), axis=-1) + x2
    f = _get_graph_feature(x3, k)
    x4 = jnp.max(_conv_block(f, W4, g4, b4), axis=-1) + x3
    xc = jnp.concatenate((x1, x2, x3, x4), axis=1)
    B, C2, N = xc.shape
    out = pl.pallas_call(
        _proj_kernel,
        grid=(B,),
        in_specs=[
            pl.BlockSpec((1, C2, N), lambda b: (b, 0, 0)),
            pl.BlockSpec((C2, C2), lambda b: (0, 0)),
        ],
        out_specs=pl.BlockSpec((1, C2, N), lambda b: (b, 0, 0)),
        out_shape=jax.ShapeDtypeStruct((B, C2, N), jnp.float32),
    )(xc, W5)
    return out

# --- scband reference (transcript-rebuilt; emitter-appended) ---
"""Pipeline reference for scband-rdgcnn-35407710388862 (READ-ONLY COPY).

The authoritative reference and input builder live on the scoring server;
editing this copy changes nothing except your own understanding.
"""

import jax, jax.numpy as jnp
import numpy as np

EPS = 1e-5

def knn(x, k):
    # x: [B, C, N]; exact L2 kNN (includes self), matching faiss IndexFlatL2
    x = jax.lax.stop_gradient(x)
    xt = jnp.transpose(x, (0, 2, 1))  # [B, N, C]
    sq = jnp.sum(xt * xt, axis=-1)  # [B, N]
    inner = jnp.einsum('bnc,bmc->bnm', xt, xt)
    dist = sq[:, :, None] - 2.0 * inner + sq[:, None, :]
    _, idx = jax.lax.top_k(-dist, k)  # nearest first
    return idx  # [B, N, k]

def get_graph_feature(x, k):
    B, C, N = x.shape
    idx = knn(x, k)  # [B, N, k]
    xt = jnp.transpose(x, (0, 2, 1))  # [B, N, C]
    feature = jax.vmap(lambda a, i: a[i])(xt, idx)  # [B, N, k, C]
    xc = jnp.broadcast_to(xt[:, :, None, :], (B, N, k, C))
    feat = jnp.concatenate([feature - xc, xc], axis=-1)  # [B, N, k, 2C]
    return jnp.transpose(feat, (0, 3, 1, 2))  # [B, 2C, N, k]

def bn2d(x, g, b):
    m = jnp.mean(x, axis=(0, 2, 3), keepdims=True)
    v = jnp.mean((x - m) ** 2, axis=(0, 2, 3), keepdims=True)
    return (x - m) / jnp.sqrt(v + EPS) * g[None, :, None, None] + b[None, :, None, None]

def conv_block(x, W, g, b):
    y = jnp.einsum('oi,binm->bonm', W, x)
    y = bn2d(y, g, b)
    return jnp.where(y >= 0, y, 0.2 * y)

def setup_inputs(seed: int = 0) -> dict:
    key = jax.random.key(seed)
    ks = jax.random.split(key, 8)
    x = jax.random.normal(ks[0], (32, 9, 1024), dtype=jnp.float32)
    W1 = jax.random.normal(ks[1], (32, 18), dtype=jnp.float32) * 0.1
    W2 = jax.random.normal(ks[2], (32, 64), dtype=jnp.float32) * 0.1
    W3 = jax.random.normal(ks[3], (32, 64), dtype=jnp.float32) * 0.1
    W4 = jax.random.normal(ks[4], (32, 64), dtype=jnp.float32) * 0.1
    W5 = jax.random.normal(ks[5], (128, 128), dtype=jnp.float32) * 0.1
    g1 = jnp.ones((32,), jnp.float32); b1 = jnp.zeros((32,), jnp.float32)
    g2 = jnp.ones((32,), jnp.float32); b2 = jnp.zeros((32,), jnp.float32)
    g3 = jnp.ones((32,), jnp.float32); b3 = jnp.zeros((32,), jnp.float32)
    g4 = jnp.ones((32,), jnp.float32); b4 = jnp.zeros((32,), jnp.float32)
    return {"x": x, "W1": W1, "W2": W2, "W3": W3, "W4": W4, "W5": W5,
            "g1": g1, "b1": b1, "g2": g2, "b2": b2, "g3": g3, "b3": b3, "g4": g4, "b4": b4}

def reference(x, W1, W2, W3, W4, W5, g1, b1, g2, b2, g3, b3, g4, b4):
    k = 40
    f = get_graph_feature(x, k)
    x1 = jnp.max(conv_block(f, W1, g1, b1), axis=-1)
    f = get_graph_feature(x1, k)
    x2 = jnp.max(conv_block(f, W2, g2, b2), axis=-1) + x1
    f = get_graph_feature(x2, k)
    x3 = jnp.max(conv_block(f, W3, g3, b3), axis=-1) + x2
    f = get_graph_feature(x3, k)
    x4 = jnp.max(conv_block(f, W4, g4, b4), axis=-1) + x3
    xc = jnp.concatenate((x1, x2, x3, x4), axis=1)  # [B, 128, N]
    out = jnp.einsum('oi,bin->bon', W5, xc)
    return out

if __name__ == "__main__":
    import jax
    _d = setup_inputs()
    print(jax.jit(kernel)(*tuple(_d.values())))

</pallas_src>

<mosaic_0001>
module attributes {stable_mosaic.version = 14 : i64} {
  func.func @_proj_kernel(%arg0: i32, %arg1: memref<1x128x1024xf32, #tpu.memory_space<vmem>>, %arg2: memref<128x128xf32, #tpu.memory_space<vmem>>, %arg3: memref<1x128x1024xf32, #tpu.memory_space<vmem>>) attributes {dimension_semantics = [#tpu.dimension_semantics<arbitrary>], iteration_bounds = array<i64: 32>, scalar_prefetch = 0 : i64, scratch_operands = 0 : i64, tpu.core_type = #tpu.core_type<tc>, window_params = [{transform_indices = @transform_0, window_bounds = array<i64: 1, 128, 1024>}, {pipeline_mode = #tpu.pipeline_mode<synchronous>, transform_indices = @transform_1, window_bounds = array<i64: 128, 128>}, {transform_indices = @transform_2, window_bounds = array<i64: 1, 128, 1024>}]} {
    %get3A = arith.constant 0 : index
    %get3A_0 = arith.constant 0 : index
    %get3A_1 = vector.load %arg2[%get3A, %get3A_0] : memref<128x128xf32, #tpu.memory_space<vmem>>, vector<128x128xf32>
    %get3A_2 = arith.constant 0 : index
    %get3A_3 = arith.constant 0 : index
    %get3A_4 = arith.constant 0 : index
    %get3A_5 = vector.load %arg1[%get3A_2, %get3A_3, %get3A_4] : memref<1x128x1024xf32, #tpu.memory_space<vmem>>, vector<1x128x1024xf32>
    %get3A_6 = vector.shape_cast %get3A_5 : vector<1x128x1024xf32> to vector<128x1024xf32>
    %dot_general3A = arith.constant dense<0.000000e+00> : vector<128x1024xf32>
    %dot_general3A_7 = tpu.matmul %get3A_1, %get3A_6, %dot_general3A {dimension_numbers = #tpu.dot_dimension_numbers<[1], [0], [0], [1], [0, 0, 1, 1], [], []>, transpose_lhs_hint = false} : vector<128x128xf32>, vector<128x1024xf32>, vector<128x1024xf32> -> vector<128x1024xf32>
    %swap3A = arith.constant 0 : index
    %swap3A_8 = arith.constant 0 : index
    %swap3A_9 = arith.constant 0 : index
    %swap3A_10 = vector.load %arg3[%swap3A, %swap3A_8, %swap3A_9] : memref<1x128x1024xf32, #tpu.memory_space<vmem>>, vector<1x128x1024xf32>
    %swap3A_11 = vector.shape_cast %swap3A_10 : vector<1x128x1024xf32> to vector<128x1024xf32>
    %swap3A_12 = vector.shape_cast %dot_general3A_7 : vector<128x1024xf32> to vector<1x128x1024xf32>
    tpu.vector_store %arg3[%swap3A, %swap3A_8, %swap3A_9], %swap3A_12 {strides = array<i32>} : memref<1x128x1024xf32, #tpu.memory_space<vmem>>, vector<1x128x1024xf32>,
    return
  }
  func.func @transform_0(%arg0: i32) -> (i32, i32, i32) {
    %c0_i32 = arith.constant 0 : i32
    %c0_i32_0 = arith.constant 0 : i32
    %c0_i32_1 = arith.constant 0 : i32
    return %arg0, %c0_i32, %c0_i32_0 : i32, i32, i32
  }
  func.func @transform_1(%arg0: i32) -> (i32, i32) {
    %c0_i32 = arith.constant 0 : i32
    %c0_i32_0 = arith.constant 0 : i32
    %c0_i32_1 = arith.constant 0 : i32
    return %c0_i32, %c0_i32_0 : i32, i32
  }
  func.func @transform_2(%arg0: i32) -> (i32, i32, i32) {
    %c0_i32 = arith.constant 0 : i32
    %c0_i32_0 = arith.constant 0 : i32
    %c0_i32_1 = arith.constant 0 : i32
    return %arg0, %c0_i32, %c0_i32_0 : i32, i32, i32
  }
}

</mosaic_0001>

<sc_bundles>
// kernel: sparse-core-data-format-call.1.cloned.1.call-start
scs
called_computation.1_lowered:
.L_overlay_start_0:
0x0: {  	s1 =	sld [smem:$0x3FD9]  }
0x1: {  	s2 =	sld [smem:$0x3FFE];
	_ =	sdelay $0x1  }
0x2: {  	s3 =	srdreg.scid  }
0x3: {  	s0 =	sand.u32 $0x1, s3  }
0x4: {  	s17 =	sshll.u32 s0, $0xA;
	s1 =	sadd.s32 s2, s1  }
0x5: {  	s1 =	sadd.s32 s1, s17  }
0x6: {  	[smem:$0x3FBA] =	sst s1  }
0x7: {  	_ = 	snop  }
0x8: {  	(tm) =	ssettm $0x1  }
0x9: {  	s18 =	sld [smem:$0x3FFB];
	_ =	sdelay $0x3  }
0xa: {  	_ =	strace s18  }
0xb: {  	s1 =	sld [smem:$0x3FFC];
	_ =	sdelay $0x3  }
0xc: {  	_ =	strace s1  }
0xd: {  	s1 =	sld [smem:$0x3FFD];
	_ =	sdelay $0x3  }
0xe: {  	_ =	strace s1  }
0xf: {  	_ =	strace $0x8FFFFFFF  }
0x10: {  	s19 =	sld [smem:$0x3FDB];
	_ =	sdelay $0x1  }
0x11: {  	s20 =	simm.s32 $_scs_section_size  }
0x12: {  	s4 =	simm.s32 $_size__tile_overlayer_lowered;
	s5 =	simm.s32 $_tile_overlayer_lowered  }
0x13: {  	s23 =	simm.s32 $0x1BFF;
	s22 =	sshll.u32 s5, $0x1;
	s1 =	sadd.s32 s20, s19  }
0x14: {  	s6 =	simm.s32 $0x0;
	s21 =	sshll.u32 s4, $0x1;
	s4 =	sadd.s32 s22, s1  }
0x15: {  	[timem:s6], [sflag:s23] =	dma.local [hbm:s4], s21  }
0x16: {  	_ =	swait.ge [sflag:s23], s21  }
0x17: {  	s2 =	ssub.s32 $0x0, s21;
	[sflag:s23] =	ssyncset.done $0x0  }
0x18: {  	[sflag:s23] =	ssyncadd.s32 s2;
	_ =	sdelay $0x1  }
0x19: {  	s24 =	simm.s32 $0x1B8B  }
0x1a: {  	_ =	swait.ge [sflag:s24], $0x1  }
0x1b: {  	[sflag:s24] =	ssyncset.done $0x0  }
0x1c: {  	s26 =	simm.s32 $0x1B8E;
	s25 =	sld [smem:$0x3FFE];
	[sflag:s24] =	ssyncadd.s32 $0xFFFFFFFF  }
0x1d: {  	s27 =	simm.s32 $execute0_lowered;
	[smem:$0x3FD2] =	sst s26  }
0x1e: {  	s4 =	sshll.u32 s27, $0x1;
	_ =	strace $0x80000058;
	[dreg:$0x1] =	wrdreg $0xFFFFFFFF  }
0x1f: {  	s28 =	simm.s32 $_size_execute0_lowered;
	s1 =	sadd.s32 s1, s4;
	[dreg:$0x0] =	wrdreg $0x0  }
0x20: {  	s4 =	sshll.u32 s28, $0x1;
	[dreg:$0x2] =	wrdreg s1  }
0x21: {  	[dreg:$0x3] =	wrdreg s4  }
0x22: {  	[dreg:$0x4] =	wrdreg $0xC0  }
0x23: {  	_ =	task [dreg:s6], $0x5FFFF  }
0x24: {  	[dreg:$0x1] =	wrdreg $0xFFFFFFFF  }
0x25: {  	[dreg:$0x0] =	wrdreg $0x60  }
0x26: {  	[dreg:$0x2] =	wrdreg s25  }
0x27: {  	[dreg:$0x3] =	wrdreg $0x9  }
0x28: {  	_ =	task.clear_ibuf [dreg:s6], $0x4FFFF;
	_ =	strace $0x90000058  }
0x29: {  	s29 =	simm.s32 $0x9;
	_ =	strace $0x8000005A  }
0x2a: {  	_ =	swait.ge [sflag:s29], $0x1  }
0x2b: {  	[sflag:s29] =	ssyncadd.s32 $0xFFFFFFFF  }
0x2c: {  	_ =	strace $0x9000005A  }
0x2d: {  	_ =	sfence  }
0x2e: {  	s30 =	sld [smem:$0x0];
	_ =	sdelay $0x2  }
0x2f: {  	s31 =	sshll.u32 s3, $0xD;
	s3 =	sshrl.u32 s3, $0x2  }
0x30: {  	s2 =	sand.u32 $0x4000, s31;
	s1 =	sadd.s32 s3, s30  }
0x31: {  	s0 =	sor.u32 s2, s0;
	s1 =	sshll.u32 s1, $0x11  }
0x32: {  	s0 =	sor.u32 s1, s0  }
0x33: {  	s0 =	sadd.s32 $0x8F2B, s0  }
0x34: {  	[sflag:s0] =	ssyncadd.remote.s32 $0x1  }
0x35: {  	_ =	sfence.sel $0xFFFF  }
0x36: {  	[dreg:$0x0] =	wrdreg $0xFFFFFFFF;
	(pc) =	sbr.abs _section_cstart, $3  }
0x37: {  	[dreg:$0x1] =	wrdreg $0xFFFFFFFF  }
0x38: {  	_ =	task.clear_ibuf [dreg:s6], $0x2FFFF;
	_ =	strace $0x9FFFFFFF  }
0x39: {  	(tm) =	ssettm $0x7FFFFFFF  }
tec
execute0_lowered:
.L_overlay_start_1:
0x0: {  	(tag) =	ssettag $0x1  }
0x1: {  	s1 =	rddreg [dreg:$0x0]  }
0x2: {  	s0 =	rddreg [dreg:$0x1];
	_ =	strace $0x80000059  }
0x3: {  	s4 =	srdreg.scid;
	s6 =	simm.s32 $0x2;
	s13 =	simm.s32 $0x0  }
0x4: {  	p0 =	por $0x0, $0x0;
	s11 =	simm.s32 $0x0;
	s12 =	simm.s32 $0x0  }
.Ltmp0:
0x5: {  	s8 =	simm.s32 $0x0;
	s9 =	simm.s32 $0x0;
	(pc) =	sbr.rel .LBB1_1-.Ltmp0, $4  }
0x6: {  	s2 =	sadd.s32 $0x480000, s1;
	s3 =	sadd.s32 $0x880000, s1;
	s4 =	sshll.u32 s4, $0x4  }
0x7: {  	s1 =	stileid.u32;
	s5 =	sand.u32 $0x10, s4;
	s4 =	simm.s32 $0x1  }
0x8: {  	s7 =	simm.s32 $0x0;
	s5 =	sor.u32 s1, s5;
	[sflag:s4] =	ssyncpa.u1 $0x0  }
0x9: {  	[sflag:s6] =	ssyncpa.u1 $0x0;
	s6 =	simm.s32 $0x2000;
	s10 =	smov.u32 s5  }
.LBB1_5:
0xa: {  	s14 =	sadd.s32 $0x80, s8  }
0xb: {  	s11 =	sadd.s32 $0x80, s9;
	s15 =	smov.u32 s9;
	p2 =	sgt.s32 s14, $0x3FF  }
0xc: {  	s15 =	smov.u32 @p2 s11  }
0xd: {  	s17 =	smov.u32 s10;
	s11 =	sadd.s32 $0x20, s10;
	p3 =	sgt.s32 s15, $0x3FF  }
0xe: {  	p1 =	slt.u32 s7, $0x2;
	s17 =	smov.u32 @p3 s11  }
0xf: {  	s7 =	sadd.s32 $0x1, s7;
	s14 =	simm.s32 @p2 $0x0;
	p2 =	sgt.s32 s17, $0x1F  }
0x10: {  	s17 =	smov.u32 @p2 s5;
	p2 =	sne.s32 s7, $0x42  }
.Ltmp1:
0x11: {  	s16 =	simm.s32 @!p1 $0x2;
	(pc) =	sbr.rel @!p2 .LBB1_6-.Ltmp1, $4  }
0x12: {  	s13 =	smov.u32 s8;
	_ =	swait.ge @!p1 [sflag:s16], $0x4000  }
0x13: {  	s12 =	smov.u32 s10;
	p0 =	por !p0, !p0;
	[sflag:s16] =	ssyncset.done @!p1 $0x0  }
0x14: {  	s8 =	smov.u32 s14;
	s15 =	simm.s32 @p3 $0x0;
	s11 =	smov.u32 s9  }
0x15: {  	[sflag:s16] =	ssyncadd.s32 @!p1 $0xFFFFC000;
	s9 =	smov.u32 s15;
	s10 =	smov.u32 s17  }
.LBB1_1:
0x16: {  	p1 =	sgt.u32 s7, $0x3F  }
0x17: {  	s14 =	sshll.u32 @!p1 s9, $0x7  }
0x18: {  	s15 =	sxor.u32 @!p1 $0xFFFFFFFF, s7;
	s16 =	sand.u32 @!p1 $0x78, s8;
	s17 =	sand.u32 @!p1 $0x380, s14  }
0x19: {  	s15 =	sshll.u32 @!p1 s15, $0xE;
	s16 =	sor.u32 @!p1 s16, s17;
	s17 =	sshll.u32 @!p1 s10, $0x11  }
0x1a: {  	s14 =	sand.u32 @!p1 $0x1FC00, s14;
	s16 =	sshrl.u32 @!p1 s16, $0x3;
	s17 =	sadd.s32 @!p1 s2, s17  }
0x1b: {  	s14 =	sadd.s32 @!p1 s8, s14;
	s16 =	sadd.s32 @!p1 s16, s17;
	s17 =	sand.u32 @!p1 $0x7, s8  }
0x1c: {  	s15 =	sand.u32 @!p1 $0x4000, s15;
	s14 =	sand.u32 @!p1 $0x1FF80, s14;
	s17 =	sshll.u32 @!p1 s17, $0x12  }
0x1d: {  	s14 =	sadd.s32 @!p1 s14, s16;
	s16 =	sor.u32 @!p1 $0x400, s17;
	s17 =	simm.s32 @!p1 $0x2000  }
0x1e: {  	[tilespmem:s15], [sflag:$0x1] =	stream.strided.gather @!p1 [hbm4b:s14+s16], $0x4000, s17, s16, $0x38;
	[tilespmem:$0x10100] =	vst v63  }
0x1f: {  	p1 =	seq.s32 s7, $0x0  }
0x20: {  	p2 =	seq.s32 @!p1 s7, $0x41  }
0x21: {  	p1 =	por p1, p2  }
.Ltmp2:
0x22: {  	_ = 	snop;
	(pc) =	sbr.rel @p1 .LBB1_5-.Ltmp2, $1  }
0x23: {  	_ =	sdelay $0x3  }
0x24: {  	s14 =	simm.s32 $0x1  }
0x25: {  	_ =	swait.ge [sflag:s4], $0x4000;
	s14 =	simm.s32 @!p0 $0x0  }
0x26: {  	[sflag:s4] =	ssyncset.done $0x0;
	s15 =	sshll.u32 s14, $0xE  }
0x27: {  	[sflag:s4] =	ssyncadd.s32 $0xFFFFC000;
	s17 =	sor.u32 $0x40, s15  }
0x28: {  	s14 =	smul.u32 $0x10200, s14;
	v0 =	vld [tilespmem:s17+$0x30]  }
0x29: {  	v3 =	vld [tilespmem:s17+$0xFFFFFFD0]  }
0x2a: {  	s14 =	sshrl.u32 s14, $0x2;
	v4 =	vld [tilespmem:s17+$0xFFFFFFE0]  }
0x2b: {  	v5 =	vld [tilespmem:s17+$0xFFFFFFF0];
	s15 =	sor.u32 $0x8000, s14  }
0x2c: {  	s31 =	sand.u32 $0x1, s7;
	v1 =	vld [tilespmem:s17+$0x0];
	s16 =	sadd.s32 $0x0, s15  }
0x2d: {  	v2 =	vld [tilespmem:s17+$0x10];
	s14 =	smul.u32 $0x10200, s31;
	[tilespmem:s16+$0x3870 ss:$0x81] =	vst.msk $0xffff, v0  }
0x2e: {  	[tilespmem:s16+$0x810 ss:$0x81] =	vst.msk $0xffff, v3;
	v3 =	vld [tilespmem:s17+$0x20]  }
0x2f: {  	s14 =	sshrl.u32 s14, $0x2;
	v0 =	vld [tilespmem:s17+$0xFFFFFFC0];
	[tilespmem:s16+$0x1020 ss:$0x81] =	vst.msk $0xffff, v4;
	s17 =	sadd.s32 $0x80, s17  }
0x30: {  	s18 =	simm.s32 $0x4;
	s19 =	simm.s32 $0x8;
	s14 =	sor.u32 $0x8000, s14;
	[tilespmem:s16+$0x1830 ss:$0x81] =	vst.msk $0xffff, v5;
	v4 =	vld [tilespmem:s17+$0x30]  }
.LBB1_3:
0x31: {  	p1 =	sne.s32 s19, $0x1FC;
	v5 =	vld [tilespmem:s17+$0xFFFFFFD0];
	[tilespmem:s16+$0x2040 ss:$0x81] =	vst.msk $0xffff, v1  }
0x32: {  	v6 =	vld [tilespmem:s17+$0xFFFFFFE0];
	[tilespmem:s16+$0x2850 ss:$0x81] =	vst.msk $0xffff, v2  }
0x33: {  	s20 =	sshra.s32 s18, $0x2;
	s18 =	smov.u32 s19;
	v7 =	vld [tilespmem:s17+$0xFFFFFFF0];
	[tilespmem:s16+$0x3060 ss:$0x81] =	vst.msk $0xffff, v3  }
.Ltmp3:
0x34: {  	v1 =	vld [tilespmem:s17+$0x0];
	[tilespmem:s16+$0x0 ss:$0x81] =	vst.msk $0xffff, v0;
	s16 =	sadd.s32 s20, s15;
	(pc) =	sbr.rel @p1 .LBB1_3-.Ltmp3, $4  }
0x35: {  	v2 =	vld [tilespmem:s17+$0x10];
	[tilespmem:s16+$0x3870 ss:$0x81] =	vst.msk $0xffff, v4  }
0x36: {  	[tilespmem:s16+$0x810 ss:$0x81] =	vst.msk $0xffff, v5;
	v3 =	vld [tilespmem:s17+$0x20]  }
0x37: {  	v0 =	vld [tilespmem:s17+$0xFFFFFFC0];
	[tilespmem:s16+$0x1020 ss:$0x81] =	vst.msk $0xffff, v6;
	s17 =	sadd.s32 $0x80, s17  }
0x38: {  	s19 =	sadd.s32 $0x4, s19;
	v4 =	vld [tilespmem:s17+$0x30];
	[tilespmem:s16+$0x1830 ss:$0x81] =	vst.msk $0xffff, v7  }
0x39: {  	v5 =	vld [tilespmem:s17+$0xFFFFFFD0];
	[tilespmem:s16+$0x2040 ss:$0x81] =	vst.msk $0xffff, v1  }
0x3a: {  	v58 =	vld [tilespmem:s17+$0xFFFFFFE0];
	[tilespmem:s16+$0x2850 ss:$0x81] =	vst.msk $0xffff, v2  }
0x3b: {  	s18 =	sshra.s32 s18, $0x2;
	v59 =	vld [tilespmem:s17+$0xFFFFFFF0];
	[tilespmem:s16+$0x3060 ss:$0x81] =	vst.msk $0xffff, v3  }
0x3c: {  	v60 =	vld [tilespmem:s17+$0x0];
	s15 =	sadd.s32 s18, s15;
	[tilespmem:s16+$0x0 ss:$0x81] =	vst.msk $0xffff, v0  }
0x3d: {  	v61 =	vld [tilespmem:s17+$0x10];
	[tilespmem:s15+$0x3870 ss:$0x81] =	vst.msk $0xffff, v4  }
0x3e: {  	v62 =	vld [tilespmem:s17+$0x20];
	s26 =	sshll.u32 s13, $0xA;
	s27 =	sshll.u32 s11, $0x3;
	s29 =	sshll.u32 s13, $0x7;
	[tilespmem:s15+$0x810 ss:$0x81] =	vst.msk $0xffff, v5  }
0x3f: {  	v63 =	vld [tilespmem:s17+$0xFFFFFFC0];
	s30 =	sand.u32 $0x78, s11;
	s12 =	sshll.u32 s12, $0x11;
	s31 =	sand.u32 $0x7, s11;
	[tilespmem:s15+$0x1020 ss:$0x81] =	vst.msk $0xffff, v58  }
0x40: {  	s28 =	sand.u32 $0xFFC00, s27;
	s13 =	sand.u32 $0x380, s29;
	s16 =	sand.u32 $0xFE000, s26;
	[tilespmem:s15+$0x1830 ss:$0x81] =	vst.msk $0xffff, v59  }
.Ltmp4:
0x41: {  	s13 =	sor.u32 s30, s13;
	s16 =	sadd.s32 s28, s16;
	[tilespmem:s15+$0x2040 ss:$0x81] =	vst.msk $0xffff, v60;
	(pc) =	sbr.rel .LBB1_5-.Ltmp4, $4  }
0x42: {  	s12 =	sadd.s32 s3, s12;
	s13 =	sshrl.u32 s13, $0x3;
	s16 =	sshrl.u32 s16, $0x3;
	[tilespmem:s15+$0x2850 ss:$0x81] =	vst.msk $0xffff, v61  }
0x43: {  	s11 =	sshll.u32 s31, $0x12;
	s12 =	sadd.s32 s13, s12;
	[tilespmem:s15+$0x3060 ss:$0x81] =	vst.msk $0xffff, v62;
	s16 =	sand.u32 $0x1FF80, s16  }
0x44: {  	s11 =	sor.u32 $0x400, s11;
	[tilespmem:s15+$0x0 ss:$0x81] =	vst.msk $0xffff, v63;
	s12 =	sadd.s32 s16, s12  }
0x45: {  	[hbm4b:s12+s11] =	stream.strided.scatter [tilespmem:s14], [sflag:$0x2], $0x4000, s6, s11, $0x20;
	[tilespmem:$0x10100] =	vst v63  }
.LBB1_6:
0x46: {  	_ =	sfence.sel $0x180000  }
0x47: {  	s2 =	simm.s32 $0x1;
	[bflag:$0x0] =	sbarrier.arrive $0xFFFF  }
0x48: {  	s31 =	simm.s32 $0x2;
	[sflag:s2] =	ssyncpa.u1 $0x1  }
0x49: {  	[sflag:s31] =	ssyncpa.u1 $0x1  }
0x4a: {  	p0 =	sne.s32 s1, $0x0;
	_ =	strace $0x90000059  }
0x4b: {  	s0 =	sadd.s32 @!p0 $0x100000, s0;
	[bflag:$0x2] =	sbarrier.arrive $0xFFFF  }
0x4c: {  	[sflag:s0] =	ssyncadd.tile.s32 @!p0 $0x1;
	_ =	shalt  }
.Lfunc_end1:
_tile_overlayer_lowered:
.L_overlay_start_2:
0x4d: {  	(tag) =	ssettag $0x2  }
0x4e: {  	s0 =	rddreg [dreg:$0x0];
	s2 =	stileid.u32  }
0x4f: {  	s1 =	rddreg [dreg:$0x1];
	p0 =	sne.s32 s2, $0x0  }
0x50: {  	s3 =	rddreg [dreg:$0x2];
	[bflag:$0x3] =	sbarrier.arrive $0xFFFF;
	s2 =	simm.s32 @!p0 $0x1C01  }
0x51: {  	[timem:s3], [sflag:s2] =	dma.local @!p0 [hbm:s0], s1  }
0x52: {  	s0 =	simm.s32 @!p0 $0x1  }
0x53: {  	_ =	swait.ge @!p0 [sflag:s0], s1  }
0x54: {  	s1 =	ssub.s32 @!p0 $0x0, s1;
	[sflag:s0] =	ssyncset.done @!p0 $0x0  }
0x55: {  	[sflag:s0] =	ssyncadd.s32 @!p0 s1  }
0x56: {  	[bflag:$0x3] =	sbarrier.arrive $0xFFFF  }
0x57: {  	_ =	shalt  }

// kernel: sparse-core-data-format-call.2.cloned.1.call-start
scs
called_computation.2_lowered:
.L_overlay_start_0:
0x0: {  	s1 =	sld [smem:$0x3FD9]  }
0x1: {  	s2 =	sld [smem:$0x3FFE];
	_ =	sdelay $0x1  }
0x2: {  	s3 =	srdreg.scid  }
0x3: {  	s0 =	sand.u32 $0x1, s3  }
0x4: {  	s17 =	sshll.u32 s0, $0xA;
	s1 =	sadd.s32 s2, s1  }
0x5: {  	s1 =	sadd.s32 s1, s17  }
0x6: {  	[smem:$0x3FBA] =	sst s1  }
0x7: {  	_ = 	snop  }
0x8: {  	(tm) =	ssettm $0x1  }
0x9: {  	s18 =	sld [smem:$0x3FFB];
	_ =	sdelay $0x3  }
0xa: {  	_ =	strace s18  }
0xb: {  	s1 =	sld [smem:$0x3FFC];
	_ =	sdelay $0x3  }
0xc: {  	_ =	strace s1  }
0xd: {  	s1 =	sld [smem:$0x3FFD];
	_ =	sdelay $0x3  }
0xe: {  	_ =	strace s1  }
0xf: {  	_ =	strace $0x8FFFFFFF  }
0x10: {  	s19 =	sld [smem:$0x3FDB];
	_ =	sdelay $0x1  }
0x11: {  	s20 =	simm.s32 $_scs_section_size  }
0x12: {  	s4 =	simm.s32 $_size__tile_overlayer_lowered;
	s5 =	simm.s32 $_tile_overlayer_lowered  }
0x13: {  	s23 =	simm.s32 $0x1BFF;
	s22 =	sshll.u32 s5, $0x1;
	s1 =	sadd.s32 s20, s19  }
0x14: {  	s6 =	simm.s32 $0x0;
	s21 =	sshll.u32 s4, $0x1;
	s4 =	sadd.s32 s22, s1  }
0x15: {  	[timem:s6], [sflag:s23] =	dma.local [hbm:s4], s21  }
0x16: {  	_ =	swait.ge [sflag:s23], s21  }
0x17: {  	s2 =	ssub.s32 $0x0, s21;
	[sflag:s23] =	ssyncset.done $0x0  }
0x18: {  	[sflag:s23] =	ssyncadd.s32 s2;
	_ =	sdelay $0x1  }
0x19: {  	s24 =	simm.s32 $0x1B8B  }
0x1a: {  	_ =	swait.ge [sflag:s24], $0x1  }
0x1b: {  	[sflag:s24] =	ssyncset.done $0x0  }
0x1c: {  	s26 =	simm.s32 $0x1B8E;
	s25 =	sld [smem:$0x3FFE];
	[sflag:s24] =	ssyncadd.s32 $0xFFFFFFFF  }
0x1d: {  	s27 =	simm.s32 $execute0_lowered;
	[smem:$0x3FD2] =	sst s26  }
0x1e: {  	s4 =	sshll.u32 s27, $0x1;
	_ =	strace $0x80000055;
	[dreg:$0x1] =	wrdreg $0xFFFFFFFF  }
0x1f: {  	s28 =	simm.s32 $_size_execute0_lowered;
	s1 =	sadd.s32 s1, s4;
	[dreg:$0x0] =	wrdreg $0x0  }
0x20: {  	s4 =	sshll.u32 s28, $0x1;
	[dreg:$0x2] =	wrdreg s1  }
0x21: {  	[dreg:$0x3] =	wrdreg s4  }
0x22: {  	[dreg:$0x4] =	wrdreg $0xC0  }
0x23: {  	_ =	task [dreg:s6], $0x5FFFF  }
0x24: {  	[dreg:$0x1] =	wrdreg $0xFFFFFFFF  }
0x25: {  	[dreg:$0x0] =	wrdreg $0x60  }
0x26: {  	[dreg:$0x2] =	wrdreg s25  }
0x27: {  	[dreg:$0x3] =	wrdreg $0x9  }
0x28: {  	_ =	task.clear_ibuf [dreg:s6], $0x4FFFF;
	_ =	strace $0x90000055  }
0x29: {  	s29 =	simm.s32 $0x9;
	_ =	strace $0x80000057  }
0x2a: {  	_ =	swait.ge [sflag:s29], $0x1  }
0x2b: {  	[sflag:s29] =	ssyncadd.s32 $0xFFFFFFFF  }
0x2c: {  	_ =	strace $0x90000057  }
0x2d: {  	_ =	sfence  }
0x2e: {  	s30 =	sld [smem:$0x0];
	_ =	sdelay $0x2  }
0x2f: {  	s31 =	sshll.u32 s3, $0xD;
	s3 =	sshrl.u32 s3, $0x2  }
0x30: {  	s2 =	sand.u32 $0x4000, s31;
	s1 =	sadd.s32 s3, s30  }
0x31: {  	s0 =	sor.u32 s2, s0;
	s1 =	sshll.u32 s1, $0x11  }
0x32: {  	s0 =	sor.u32 s1, s0  }
0x33: {  	s0 =	sadd.s32 $0x8F2B, s0  }
0x34: {  	[sflag:s0] =	ssyncadd.remote.s32 $0x1  }
0x35: {  	_ =	sfence.sel $0xFFFF  }
0x36: {  	[dreg:$0x0] =	wrdreg $0xFFFFFFFF;
	(pc) =	sbr.abs _section_cstart, $3  }
0x37: {  	[dreg:$0x1] =	wrdreg $0xFFFFFFFF  }
0x38: {  	_ =	task.clear_ibuf [dreg:s6], $0x2FFFF;
	_ =	strace $0x9FFFFFFF  }
0x39: {  	(tm) =	ssettm $0x7FFFFFFF  }
tec
execute0_lowered:
.L_overlay_start_1:
0x0: {  	(tag) =	ssettag $0x1  }
0x1: {  	s1 =	rddreg [dreg:$0x0]  }
0x2: {  	s0 =	rddreg [dreg:$0x1];
	_ =	strace $0x80000056  }
0x3: {  	s4 =	srdreg.scid;
	s6 =	simm.s32 $0x2;
	s11 =	simm.s32 $0x0  }
0x4: {  	p0 =	por $0x0, $0x0;
	s12 =	simm.s32 $0x0;
	s13 =	simm.s32 $0x0  }
.Ltmp0:
0x5: {  	s8 =	simm.s32 $0x0;
	s9 =	simm.s32 $0x0;
	(pc) =	sbr.rel .LBB1_1-.Ltmp0, $4  }
0x6: {  	s2 =	sadd.s32 $0x460000, s1;
	s3 =	sadd.s32 $0x1860000, s1;
	s4 =	sshll.u32 s4, $0x4  }
0x7: {  	s1 =	stileid.u32;
	s5 =	sand.u32 $0x10, s4;
	s4 =	simm.s32 $0x1  }
0x8: {  	s7 =	simm.s32 $0x0;
	s5 =	sor.u32 s1, s5;
	[sflag:s4] =	ssyncpa.u1 $0x0  }
0x9: {  	[sflag:s6] =	ssyncpa.u1 $0x0;
	s6 =	simm.s32 $0x2000;
	s10 =	smov.u32 s5  }
.LBB1_5:
0xa: {  	s14 =	sadd.s32 $0x1, s8  }
0xb: {  	s11 =	sadd.s32 $0x80, s9;
	s15 =	smov.u32 s9;
	p2 =	sgt.s32 s14, $0x27  }
0xc: {  	s15 =	smov.u32 @p2 s11  }
0xd: {  	s17 =	smov.u32 s10;
	s11 =	sadd.s32 $0x20, s10;
	p3 =	sgt.s32 s15, $0x3FF  }
0xe: {  	p1 =	slt.u32 s7, $0x2;
	s17 =	smov.u32 @p3 s11  }
0xf: {  	s7 =	sadd.s32 $0x1, s7;
	s14 =	simm.s32 @p2 $0x0;
	p2 =	sgt.s32 s17, $0x1F  }
0x10: {  	s17 =	smov.u32 @p2 s5;
	p2 =	sne.s32 s7, $0x142  }
.Ltmp1:
0x11: {  	s16 =	simm.s32 @!p1 $0x2;
	(pc) =	sbr.rel @!p2 .LBB1_6-.Ltmp1, $4  }
0x12: {  	s12 =	smov.u32 s9;
	_ =	swait.ge @!p1 [sflag:s16], $0x1000  }
0x13: {  	s13 =	smov.u32 s10;
	p0 =	por !p0, !p0;
	[sflag:s16] =	ssyncset.done @!p1 $0x0  }
0x14: {  	s15 =	simm.s32 @p3 $0x0;
	s11 =	smov.u32 s8;
	[sflag:s16] =	ssyncadd.s32 @!p1 $0xFFFFF000  }
0x15: {  	s8 =	smov.u32 s14;
	s9 =	smov.u32 s15;
	s10 =	smov.u32 s17  }
.LBB1_1:
0x16: {  	p1 =	sgt.u32 s7, $0x13F  }
0x17: {  	s14 =	sand.u32 @!p1 $0x1FFFFFF, s8;
	s16 =	smul.u32 @!p1 $0xA0000, s10  }
0x18: {  	s15 =	smulhi.u32 @!p1 $0x6666667, s14  }
0x19: {  	s18 =	smul.u32 @!p1 $0x280, s9  }
0x1a: {  	s15 =	smul.u32 @!p1 $0x28, s15  }
0x1b: {  	s16 =	sadd.s32 @!p1 s2, s16  }
0x1c: {  	s17 =	sxor.u32 @!p1 $0xFFFFFFFF, s7;
	s16 =	sadd.s32 @!p1 s18, s16;
	s14 =	ssub.s32 @!p1 s14, s15  }
0x1d: {  	s15 =	sshll.u32 @!p1 s17, $0xC;
	s17 =	simm.s32 @!p1 $0x1400;
	s14 =	sshll.u32 @!p1 s14, $0x4  }
0x1e: {  	s15 =	sand.u32 @!p1 $0x1000, s15;
	s14 =	sadd.s32 @!p1 s14, s16;
	s16 =	simm.s32 @!p1 $0x20  }
0x1f: {  	[tilespmem:s15], [sflag:$0x1] =	stream.strided.gather @!p1 [hbm4b:s14+s16], $0x1000, s17, s16, $0x38;
	[tilespmem:$0x4040] =	vst v63  }
0x20: {  	p1 =	seq.s32 s7, $0x0  }
0x21: {  	p2 =	seq.s32 @!p1 s7, $0x141  }
0x22: {  	p1 =	por p1, p2  }
.Ltmp2:
0x23: {  	_ = 	snop;
	(pc) =	sbr.rel @p1 .LBB1_5-.Ltmp2, $1  }
0x24: {  	_ =	sdelay $0x3  }
0x25: {  	s14 =	simm.s32 $0x1  }
0x26: {  	_ =	swait.ge [sflag:s4], $0x1000;
	s14 =	simm.s32 @!p0 $0x0  }
0x27: {  	[sflag:s4] =	ssyncset.done $0x0;
	s15 =	sshll.u32 s14, $0xC  }
0x28: {  	[sflag:s4] =	ssyncadd.s32 $0xFFFFF000;
	s18 =	sor.u32 $0x10, s15  }
0x29: {  	s14 =	smul.u32 $0x4080, s14;
	v1 =	vld [tilespmem:s18+$0x0]  }
0x2a: {  	s30 =	sand.u32 $0x1, s7;
	v0 =	vld [tilespmem:s18+$0xFFFFFFF0]  }
0x2b: {  	s15 =	smul.u32 $0x4080, s30;
	s14 =	sshrl.u32 s14, $0x2  }
0x2c: {  	s16 =	sor.u32 $0x2000, s14  }
0x2d: {  	s31 =	sshrl.u32 s15, $0x2;
	s15 =	sadd.s32 $0x0, s16  }
0x2e: {  	s17 =	simm.s32 $0x4;
	s18 =	sadd.s32 $0x20, s18;
	s14 =	sor.u32 $0x2000, s31;
	[tilespmem:s15+$0x810 ss:$0x81] =	vst.msk $0xffff, v1  }
.LBB1_3:
0x2f: {  	v1 =	vld [tilespmem:s18+$0x0];
	p1 =	sne.s32 s17, $0x1FC;
	[tilespmem:s15+$0x0 ss:$0x81] =	vst.msk $0xffff, v0;
	s15 =	smov.u32 s17;
	s17 =	sadd.s32 $0x4, s17  }
.Ltmp3:
0x30: {  	v0 =	vld [tilespmem:s18+$0xFFFFFFF0];
	(pc) =	sbr.rel @p1 .LBB1_3-.Ltmp3, $4  }
0x31: {  	_ = 	snop  }
0x32: {  	s15 =	sshra.s32 s15, $0x2  }
0x33: {  	s15 =	sadd.s32 s15, s16  }
0x34: {  	s18 =	sadd.s32 $0x20, s18;
	[tilespmem:s15+$0x810 ss:$0x81] =	vst.msk $0xffff, v1  }
0x35: {  	s13 =	smul.u32 $0x28000, s13  }
0x36: {  	s16 =	sand.u32 $0xF80, s12  }
.Ltmp4:
0x37: {  	s11 =	sshll.u32 s11, $0xC;
	s13 =	sadd.s32 s3, s13;
	(pc) =	sbr.rel .LBB1_5-.Ltmp4, $4  }
0x38: {  	s17 =	sshrl.u32 s12, $0x3;
	s30 =	sand.u32 $0x7, s12;
	s13 =	sadd.s32 s16, s13  }
0x39: {  	s31 =	sand.u32 $0xF, s17;
	s12 =	sshll.u32 s30, $0x12;
	s11 =	sadd.s32 s11, s13  }
0x3a: {  	[tilespmem:s15+$0x0 ss:$0x81] =	vst.msk $0xffff, v0;
	s12 =	sor.u32 $0x400, s12;
	s11 =	sadd.s32 s31, s11  }
0x3b: {  	[hbm4b:s11+s12] =	stream.strided.scatter [tilespmem:s14], [sflag:$0x2], $0x1000, s6, s12, $0x20;
	[tilespmem:$0x4040] =	vst v63  }
.LBB1_6:
0x3c: {  	_ =	sfence.sel $0x180000  }
0x3d: {  	s2 =	simm.s32 $0x1;
	[bflag:$0x0] =	sbarrier.arrive $0xFFFF  }
0x3e: {  	s31 =	simm.s32 $0x2;
	[sflag:s2] =	ssyncpa.u1 $0x1  }
0x3f: {  	[sflag:s31] =	ssyncpa.u1 $0x1  }
0x40: {  	p0 =	sne.s32 s1, $0x0;
	_ =	strace $0x90000056  }
0x41: {  	s0 =	sadd.s32 @!p0 $0x100000, s0;
	[bflag:$0x2] =	sbarrier.arrive $0xFFFF  }
0x42: {  	[sflag:s0] =	ssyncadd.tile.s32 @!p0 $0x1;
	_ =	shalt  }
.Lfunc_end1:
_tile_overlayer_lowered:
.L_overlay_start_2:
0x43: {  	(tag) =	ssettag $0x2  }
0x44: {  	s0 =	rddreg [dreg:$0x0];
	s2 =	stileid.u32  }
0x45: {  	s1 =	rddreg [dreg:$0x1];
	p0 =	sne.s32 s2, $0x0  }
0x46: {  	s3 =	rddreg [dreg:$0x2];
	[bflag:$0x3] =	sbarrier.arrive $0xFFFF;
	s2 =	simm.s32 @!p0 $0x1C01  }
0x47: {  	[timem:s3], [sflag:s2] =	dma.local @!p0 [hbm:s0], s1  }
0x48: {  	s0 =	simm.s32 @!p0 $0x1  }
0x49: {  	_ =	swait.ge @!p0 [sflag:s0], s1  }
0x4a: {  	s1 =	ssub.s32 @!p0 $0x0, s1;
	[sflag:s0] =	ssyncset.done @!p0 $0x0  }
0x4b: {  	[sflag:s0] =	ssyncadd.s32 @!p0 s1  }
0x4c: {  	[bflag:$0x3] =	sbarrier.arrive $0xFFFF  }
0x4d: {  	_ =	shalt  }

// kernel: sparse-core-data-format-call.3.cloned.1.call-start
scs
called_computation.3_lowered:
.L_overlay_start_0:
0x0: {  	s1 =	sld [smem:$0x3FD9]  }
0x1: {  	s2 =	sld [smem:$0x3FFE];
	_ =	sdelay $0x1  }
0x2: {  	s3 =	srdreg.scid  }
0x3: {  	s0 =	sand.u32 $0x1, s3  }
0x4: {  	s17 =	sshll.u32 s0, $0xA;
	s1 =	sadd.s32 s2, s1  }
0x5: {  	s1 =	sadd.s32 s1, s17  }
0x6: {  	[smem:$0x3FBA] =	sst s1  }
0x7: {  	_ = 	snop  }
0x8: {  	(tm) =	ssettm $0x1  }
0x9: {  	s18 =	sld [smem:$0x3FFB];
	_ =	sdelay $0x3  }
0xa: {  	_ =	strace s18  }
0xb: {  	s1 =	sld [smem:$0x3FFC];
	_ =	sdelay $0x3  }
0xc: {  	_ =	strace s1  }
0xd: {  	s1 =	sld [smem:$0x3FFD];
	_ =	sdelay $0x3  }
0xe: {  	_ =	strace s1  }
0xf: {  	_ =	strace $0x8FFFFFFF  }
0x10: {  	s19 =	sld [smem:$0x3FDB];
	_ =	sdelay $0x1  }
0x11: {  	s20 =	simm.s32 $_scs_section_size  }
0x12: {  	s4 =	simm.s32 $_size__tile_overlayer_lowered;
	s5 =	simm.s32 $_tile_overlayer_lowered  }
0x13: {  	s23 =	simm.s32 $0x1BFF;
	s22 =	sshll.u32 s5, $0x1;
	s1 =	sadd.s32 s20, s19  }
0x14: {  	s6 =	simm.s32 $0x0;
	s21 =	sshll.u32 s4, $0x1;
	s4 =	sadd.s32 s22, s1  }
0x15: {  	[timem:s6], [sflag:s23] =	dma.local [hbm:s4], s21  }
0x16: {  	_ =	swait.ge [sflag:s23], s21  }
0x17: {  	s2 =	ssub.s32 $0x0, s21;
	[sflag:s23] =	ssyncset.done $0x0  }
0x18: {  	[sflag:s23] =	ssyncadd.s32 s2;
	_ =	sdelay $0x1  }
0x19: {  	s24 =	simm.s32 $0x1B8B  }
0x1a: {  	_ =	swait.ge [sflag:s24], $0x1  }
0x1b: {  	[sflag:s24] =	ssyncset.done $0x0  }
0x1c: {  	s26 =	simm.s32 $0x1B8E;
	s25 =	sld [smem:$0x3FFE];
	[sflag:s24] =	ssyncadd.s32 $0xFFFFFFFF  }
0x1d: {  	s27 =	simm.s32 $execute0_lowered;
	[smem:$0x3FD2] =	sst s26  }
0x1e: {  	s4 =	sshll.u32 s27, $0x1;
	_ =	strace $0x80000052;
	[dreg:$0x1] =	wrdreg $0xFFFFFFFF  }
0x1f: {  	s28 =	simm.s32 $_size_execute0_lowered;
	s1 =	sadd.s32 s1, s4;
	[dreg:$0x0] =	wrdreg $0x0  }
0x20: {  	s4 =	sshll.u32 s28, $0x1;
	[dreg:$0x2] =	wrdreg s1  }
0x21: {  	[dreg:$0x3] =	wrdreg s4  }
0x22: {  	[dreg:$0x4] =	wrdreg $0xC0  }
0x23: {  	_ =	task [dreg:s6], $0x5FFFF  }
0x24: {  	[dreg:$0x1] =	wrdreg $0xFFFFFFFF  }
0x25: {  	[dreg:$0x0] =	wrdreg $0x60  }
0x26: {  	[dreg:$0x2] =	wrdreg s25  }
0x27: {  	[dreg:$0x3] =	wrdreg $0x9  }
0x28: {  	_ =	task.clear_ibuf [dreg:s6], $0x4FFFF;
	_ =	strace $0x90000052  }
0x29: {  	s29 =	simm.s32 $0x9;
	_ =	strace $0x80000054  }
0x2a: {  	_ =	swait.ge [sflag:s29], $0x1  }
0x2b: {  	[sflag:s29] =	ssyncadd.s32 $0xFFFFFFFF  }
0x2c: {  	_ =	strace $0x90000054  }
0x2d: {  	_ =	sfence  }
0x2e: {  	s30 =	sld [smem:$0x0];
	_ =	sdelay $0x2  }
0x2f: {  	s31 =	sshll.u32 s3, $0xD;
	s3 =	sshrl.u32 s3, $0x2  }
0x30: {  	s2 =	sand.u32 $0x4000, s31;
	s1 =	sadd.s32 s3, s30  }
0x31: {  	s0 =	sor.u32 s2, s0;
	s1 =	sshll.u32 s1, $0x11  }
0x32: {  	s0 =	sor.u32 s1, s0  }
0x33: {  	s0 =	sadd.s32 $0x8F2B, s0  }
0x34: {  	[sflag:s0] =	ssyncadd.remote.s32 $0x1  }
0x35: {  	_ =	sfence.sel $0xFFFF  }
0x36: {  	[dreg:$0x0] =	wrdreg $0xFFFFFFFF;
	(pc) =	sbr.abs _section_cstart, $3  }
0x37: {  	[dreg:$0x1] =	wrdreg $0xFFFFFFFF  }
0x38: {  	_ =	task.clear_ibuf [dreg:s6], $0x2FFFF;
	_ =	strace $0x9FFFFFFF  }
0x39: {  	(tm) =	ssettm $0x7FFFFFFF  }
tec
execute0_lowered:
.L_overlay_start_1:
0x0: {  	(tag) =	ssettag $0x1  }
0x1: {  	s1 =	rddreg [dreg:$0x0]  }
0x2: {  	s0 =	rddreg [dreg:$0x1];
	_ =	strace $0x80000053  }
0x3: {  	s4 =	srdreg.scid;
	s6 =	simm.s32 $0x2;
	s13 =	simm.s32 $0x0  }
0x4: {  	p0 =	por $0x0, $0x0;
	s11 =	simm.s32 $0x0;
	s12 =	simm.s32 $0x0  }
.Ltmp0:
0x5: {  	s8 =	simm.s32 $0x0;
	s9 =	simm.s32 $0x0;
	(pc) =	sbr.rel .LBB1_1-.Ltmp0, $4  }
0x6: {  	s2 =	sadd.s32 $0x460000, s1;
	s3 =	sadd.s32 $0x860000, s1;
	s4 =	sshll.u32 s4, $0x4  }
0x7: {  	s1 =	stileid.u32;
	s5 =	sand.u32 $0x10, s4;
	s4 =	simm.s32 $0x1  }
0x8: {  	s7 =	simm.s32 $0x0;
	s5 =	sor.u32 s1, s5;
	[sflag:s4] =	ssyncpa.u1 $0x0  }
0x9: {  	[sflag:s6] =	ssyncpa.u1 $0x0;
	s6 =	simm.s32 $0x2000;
	s10 =	smov.u32 s5  }
.LBB1_5:
0xa: {  	s14 =	sadd.s32 $0x80, s8  }
0xb: {  	s11 =	sadd.s32 $0x80, s9;
	s15 =	smov.u32 s9;
	p2 =	sgt.s32 s14, $0x3FF  }
0xc: {  	s15 =	smov.u32 @p2 s11  }
0xd: {  	s17 =	smov.u32 s10;
	s11 =	sadd.s32 $0x20, s10;
	p3 =	sgt.s32 s15, $0x3FF  }
0xe: {  	p1 =	slt.u32 s7, $0x2;
	s17 =	smov.u32 @p3 s11  }
0xf: {  	s7 =	sadd.s32 $0x1, s7;
	s14 =	simm.s32 @p2 $0x0;
	p2 =	sgt.s32 s17, $0x1F  }
0x10: {  	s17 =	smov.u32 @p2 s5;
	p2 =	sne.s32 s7, $0x42  }
.Ltmp1:
0x11: {  	s16 =	simm.s32 @!p1 $0x2;
	(pc) =	sbr.rel @!p2 .LBB1_6-.Ltmp1, $4  }
0x12: {  	s13 =	smov.u32 s8;
	_ =	swait.ge @!p1 [sflag:s16], $0x4000  }
0x13: {  	s12 =	smov.u32 s10;
	p0 =	por !p0, !p0;
	[sflag:s16] =	ssyncset.done @!p1 $0x0  }
0x14: {  	s8 =	smov.u32 s14;
	s15 =	simm.s32 @p3 $0x0;
	s11 =	smov.u32 s9  }
0x15: {  	[sflag:s16] =	ssyncadd.s32 @!p1 $0xFFFFC000;
	s9 =	smov.u32 s15;
	s10 =	smov.u32 s17  }
.LBB1_1:
0x16: {  	p1 =	sgt.u32 s7, $0x3F  }
0x17: {  	s14 =	sshll.u32 @!p1 s9, $0x7  }
0x18: {  	s15 =	sxor.u32 @!p1 $0xFFFFFFFF, s7;
	s16 =	sand.u32 @!p1 $0x78, s8;
	s17 =	sand.u32 @!p1 $0x380, s14  }
0x19: {  	s15 =	sshll.u32 @!p1 s15, $0xE;
	s16 =	sor.u32 @!p1 s16, s17;
	s17 =	sshll.u32 @!p1 s10, $0x11  }
0x1a: {  	s14 =	sand.u32 @!p1 $0x1FC00, s14;
	s16 =	sshrl.u32 @!p1 s16, $0x3;
	s17 =	sadd.s32 @!p1 s2, s17  }
0x1b: {  	s14 =	sadd.s32 @!p1 s8, s14;
	s16 =	sadd.s32 @!p1 s16, s17;
	s17 =	sand.u32 @!p1 $0x7, s8  }
0x1c: {  	s15 =	sand.u32 @!p1 $0x4000, s15;
	s14 =	sand.u32 @!p1 $0x1FF80, s14;
	s17 =	sshll.u32 @!p1 s17, $0x12  }
0x1d: {  	s14 =	sadd.s32 @!p1 s14, s16;
	s16 =	sor.u32 @!p1 $0x400, s17;
	s17 =	simm.s32 @!p1 $0x2000  }
0x1e: {  	[tilespmem:s15], [sflag:$0x1] =	stream.strided.gather @!p1 [hbm4b:s14+s16], $0x4000, s17, s16, $0x38;
	[tilespmem:$0x10100] =	vst v63  }
0x1f: {  	p1 =	seq.s32 s7, $0x0  }
0x20: {  	p2 =	seq.s32 @!p1 s7, $0x41  }
0x21: {  	p1 =	por p1, p2  }
.Ltmp2:
0x22: {  	_ = 	snop;
	(pc) =	sbr.rel @p1 .LBB1_5-.Ltmp2, $1  }
0x23: {  	_ =	sdelay $0x3  }
0x24: {  	s14 =	simm.s32 $0x1  }
0x25: {  	_ =	swait.ge [sflag:s4], $0x4000;
	s14 =	simm.s32 @!p0 $0x0  }
0x26: {  	[sflag:s4] =	ssyncset.done $0x0;
	s15 =	sshll.u32 s14, $0xE  }
0x27: {  	[sflag:s4] =	ssyncadd.s32 $0xFFFFC000;
	s17 =	sor.u32 $0x40, s15  }
0x28: {  	s14 =	smul.u32 $0x10200, s14;
	v0 =	vld [tilespmem:s17+$0x30]  }
0x29: {  	v3 =	vld [tilespmem:s17+$0xFFFFFFD0]  }
0x2a: {  	s14 =	sshrl.u32 s14, $0x2;
	v4 =	vld [tilespmem:s17+$0xFFFFFFE0]  }
0x2b: {  	v5 =	vld [tilespmem:s17+$0xFFFFFFF0];
	s15 =	sor.u32 $0x8000, s14  }
0x2c: {  	s31 =	sand.u32 $0x1, s7;
	v1 =	vld [tilespmem:s17+$0x0];
	s16 =	sadd.s32 $0x0, s15  }
0x2d: {  	v2 =	vld [tilespmem:s17+$0x10];
	s14 =	smul.u32 $0x10200, s31;
	[tilespmem:s16+$0x3870 ss:$0x81] =	vst.msk $0xffff, v0  }
0x2e: {  	[tilespmem:s16+$0x810 ss:$0x81] =	vst.msk $0xffff, v3;
	v3 =	vld [tilespmem:s17+$0x20]  }
0x2f: {  	s14 =	sshrl.u32 s14, $0x2;
	v0 =	vld [tilespmem:s17+$0xFFFFFFC0];
	[tilespmem:s16+$0x1020 ss:$0x81] =	vst.msk $0xffff, v4;
	s17 =	sadd.s32 $0x80, s17  }
0x30: {  	s18 =	simm.s32 $0x4;
	s19 =	simm.s32 $0x8;
	s14 =	sor.u32 $0x8000, s14;
	[tilespmem:s16+$0x1830 ss:$0x81] =	vst.msk $0xffff, v5;
	v4 =	vld [tilespmem:s17+$0x30]  }
.LBB1_3:
0x31: {  	p1 =	sne.s32 s19, $0x1FC;
	v5 =	vld [tilespmem:s17+$0xFFFFFFD0];
	[tilespmem:s16+$0x2040 ss:$0x81] =	vst.msk $0xffff, v1  }
0x32: {  	v6 =	vld [tilespmem:s17+$0xFFFFFFE0];
	[tilespmem:s16+$0x2850 ss:$0x81] =	vst.msk $0xffff, v2  }
0x33: {  	s20 =	sshra.s32 s18, $0x2;
	s18 =	smov.u32 s19;
	v7 =	vld [tilespmem:s17+$0xFFFFFFF0];
	[tilespmem:s16+$0x3060 ss:$0x81] =	vst.msk $0xffff, v3  }
.Ltmp3:
0x34: {  	v1 =	vld [tilespmem:s17+$0x0];
	[tilespmem:s16+$0x0 ss:$0x81] =	vst.msk $0xffff, v0;
	s16 =	sadd.s32 s20, s15;
	(pc) =	sbr.rel @p1 .LBB1_3-.Ltmp3, $4  }
0x35: {  	v2 =	vld [tilespmem:s17+$0x10];
	[tilespmem:s16+$0x3870 ss:$0x81] =	vst.msk $0xffff, v4  }
0x36: {  	[tilespmem:s16+$0x810 ss:$0x81] =	vst.msk $0xffff, v5;
	v3 =	vld [tilespmem:s17+$0x20]  }
0x37: {  	v0 =	vld [tilespmem:s17+$0xFFFFFFC0];
	[tilespmem:s16+$0x1020 ss:$0x81] =	vst.msk $0xffff, v6;
	s17 =	sadd.s32 $0x80, s17  }
0x38: {  	s19 =	sadd.s32 $0x4, s19;
	v4 =	vld [tilespmem:s17+$0x30];
	[tilespmem:s16+$0x1830 ss:$0x81] =	vst.msk $0xffff, v7  }
0x39: {  	v5 =	vld [tilespmem:s17+$0xFFFFFFD0];
	[tilespmem:s16+$0x2040 ss:$0x81] =	vst.msk $0xffff, v1  }
0x3a: {  	v58 =	vld [tilespmem:s17+$0xFFFFFFE0];
	[tilespmem:s16+$0x2850 ss:$0x81] =	vst.msk $0xffff, v2  }
0x3b: {  	s18 =	sshra.s32 s18, $0x2;
	v59 =	vld [tilespmem:s17+$0xFFFFFFF0];
	[tilespmem:s16+$0x3060 ss:$0x81] =	vst.msk $0xffff, v3  }
0x3c: {  	v60 =	vld [tilespmem:s17+$0x0];
	s15 =	sadd.s32 s18, s15;
	[tilespmem:s16+$0x0 ss:$0x81] =	vst.msk $0xffff, v0  }
0x3d: {  	v61 =	vld [tilespmem:s17+$0x10];
	[tilespmem:s15+$0x3870 ss:$0x81] =	vst.msk $0xffff, v4  }
0x3e: {  	v62 =	vld [tilespmem:s17+$0x20];
	s26 =	sshll.u32 s13, $0xA;
	s27 =	sshll.u32 s11, $0x3;
	s29 =	sshll.u32 s13, $0x7;
	[tilespmem:s15+$0x810 ss:$0x81] =	vst.msk $0xffff, v5  }
0x3f: {  	v63 =	vld [tilespmem:s17+$0xFFFFFFC0];
	s30 =	sand.u32 $0x78, s11;
	s12 =	sshll.u32 s12, $0x11;
	s31 =	sand.u32 $0x7, s11;
	[tilespmem:s15+$0x1020 ss:$0x81] =	vst.msk $0xffff, v58  }
0x40: {  	s28 =	sand.u32 $0xFFC00, s27;
	s13 =	sand.u32 $0x380, s29;
	s16 =	sand.u32 $0xFE000, s26;
	[tilespmem:s15+$0x1830 ss:$0x81] =	vst.msk $0xffff, v59  }
.Ltmp4:
0x41: {  	s13 =	sor.u32 s30, s13;
	s16 =	sadd.s32 s28, s16;
	[tilespmem:s15+$0x2040 ss:$0x81] =	vst.msk $0xffff, v60;
	(pc) =	sbr.rel .LBB1_5-.Ltmp4, $4  }
0x42: {  	s12 =	sadd.s32 s3, s12;
	s13 =	sshrl.u32 s13, $0x3;
	s16 =	sshrl.u32 s16, $0x3;
	[tilespmem:s15+$0x2850 ss:$0x81] =	vst.msk $0xffff, v61  }
0x43: {  	s11 =	sshll.u32 s31, $0x12;
	s12 =	sadd.s32 s13, s12;
	[tilespmem:s15+$0x3060 ss:$0x81] =	vst.msk $0xffff, v62;
	s16 =	sand.u32 $0x1FF80, s16  }
0x44: {  	s11 =	sor.u32 $0x400, s11;
	[tilespmem:s15+$0x0 ss:$0x81] =	vst.msk $0xffff, v63;
	s12 =	sadd.s32 s16, s12  }
0x45: {  	[hbm4b:s12+s11] =	stream.strided.scatter [tilespmem:s14], [sflag:$0x2], $0x4000, s6, s11, $0x20;
	[tilespmem:$0x10100] =	vst v63  }
.LBB1_6:
0x46: {  	_ =	sfence.sel $0x180000  }
0x47: {  	s2 =	simm.s32 $0x1;
	[bflag:$0x0] =	sbarrier.arrive $0xFFFF  }
0x48: {  	s31 =	simm.s32 $0x2;
	[sflag:s2] =	ssyncpa.u1 $0x1  }
0x49: {  	[sflag:s31] =	ssyncpa.u1 $0x1  }
0x4a: {  	p0 =	sne.s32 s1, $0x0;
	_ =	strace $0x90000053  }
0x4b: {  	s0 =	sadd.s32 @!p0 $0x100000, s0;
	[bflag:$0x2] =	sbarrier.arrive $0xFFFF  }
0x4c: {  	[sflag:s0] =	ssyncadd.tile.s32 @!p0 $0x1;
	_ =	shalt  }
.Lfunc_end1:
_tile_overlayer_lowered:
.L_overlay_start_2:
0x4d: {  	(tag) =	ssettag $0x2  }
0x4e: {  	s0 =	rddreg [dreg:$0x0];
	s2 =	stileid.u32  }
0x4f: {  	s1 =	rddreg [dreg:$0x1];
	p0 =	sne.s32 s2, $0x0  }
0x50: {  	s3 =	rddreg [dreg:$0x2];
	[bflag:$0x3] =	sbarrier.arrive $0xFFFF;
	s2 =	simm.s32 @!p0 $0x1C01  }
0x51: {  	[timem:s3], [sflag:s2] =	dma.local @!p0 [hbm:s0], s1  }
0x52: {  	s0 =	simm.s32 @!p0 $0x1  }
0x53: {  	_ =	swait.ge @!p0 [sflag:s0], s1  }
0x54: {  	s1 =	ssub.s32 @!p0 $0x0, s1;
	[sflag:s0] =	ssyncset.done @!p0 $0x0  }
0x55: {  	[sflag:s0] =	ssyncadd.s32 @!p0 s1  }
0x56: {  	[bflag:$0x3] =	sbarrier.arrive $0xFFFF  }
0x57: {  	_ =	shalt  }

// kernel: sparse-core-data-format-call.4.cloned.1.call-start
scs
called_computation.4_lowered:
.L_overlay_start_0:
0x0: {  	s1 =	sld [smem:$0x3FD9]  }
0x1: {  	s2 =	sld [smem:$0x3FFE];
	_ =	sdelay $0x1  }
0x2: {  	s3 =	srdreg.scid  }
0x3: {  	s0 =	sand.u32 $0x1, s3  }
0x4: {  	s17 =	sshll.u32 s0, $0xA;
	s1 =	sadd.s32 s2, s1  }
0x5: {  	s1 =	sadd.s32 s1, s17  }
0x6: {  	[smem:$0x3FBA] =	sst s1  }
0x7: {  	_ = 	snop  }
0x8: {  	(tm) =	ssettm $0x1  }
0x9: {  	s18 =	sld [smem:$0x3FFB];
	_ =	sdelay $0x3  }
0xa: {  	_ =	strace s18  }
0xb: {  	s1 =	sld [smem:$0x3FFC];
	_ =	sdelay $0x3  }
0xc: {  	_ =	strace s1  }
0xd: {  	s1 =	sld [smem:$0x3FFD];
	_ =	sdelay $0x3  }
0xe: {  	_ =	strace s1  }
0xf: {  	_ =	strace $0x8FFFFFFF  }
0x10: {  	s19 =	sld [smem:$0x3FDB];
	_ =	sdelay $0x1  }
0x11: {  	s20 =	simm.s32 $_scs_section_size  }
0x12: {  	s4 =	simm.s32 $_size__tile_overlayer_lowered;
	s5 =	simm.s32 $_tile_overlayer_lowered  }
0x13: {  	s23 =	simm.s32 $0x1BFF;
	s22 =	sshll.u32 s5, $0x1;
	s1 =	sadd.s32 s20, s19  }
0x14: {  	s6 =	simm.s32 $0x0;
	s21 =	sshll.u32 s4, $0x1;
	s4 =	sadd.s32 s22, s1  }
0x15: {  	[timem:s6], [sflag:s23] =	dma.local [hbm:s4], s21  }
0x16: {  	_ =	swait.ge [sflag:s23], s21  }
0x17: {  	s2 =	ssub.s32 $0x0, s21;
	[sflag:s23] =	ssyncset.done $0x0  }
0x18: {  	[sflag:s23] =	ssyncadd.s32 s2;
	_ =	sdelay $0x1  }
0x19: {  	s24 =	simm.s32 $0x1B8B  }
0x1a: {  	_ =	swait.ge [sflag:s24], $0x1  }
0x1b: {  	[sflag:s24] =	ssyncset.done $0x0  }
0x1c: {  	s26 =	simm.s32 $0x1B8E;
	s25 =	sld [smem:$0x3FFE];
	[sflag:s24] =	ssyncadd.s32 $0xFFFFFFFF  }
0x1d: {  	s27 =	simm.s32 $execute0_lowered;
	[smem:$0x3FD2] =	sst s26  }
0x1e: {  	s4 =	sshll.u32 s27, $0x1;
	_ =	strace $0x8000004F;
	[dreg:$0x1] =	wrdreg $0xFFFFFFFF  }
0x1f: {  	s28 =	simm.s32 $_size_execute0_lowered;
	s1 =	sadd.s32 s1, s4;
	[dreg:$0x0] =	wrdreg $0x0  }
0x20: {  	s4 =	sshll.u32 s28, $0x1;
	[dreg:$0x2] =	wrdreg s1  }
0x21: {  	[dreg:$0x3] =	wrdreg s4  }
0x22: {  	[dreg:$0x4] =	wrdreg $0xC0  }
0x23: {  	_ =	task [dreg:s6], $0x5FFFF  }
0x24: {  	[dreg:$0x1] =	wrdreg $0xFFFFFFFF  }
0x25: {  	[dreg:$0x0] =	wrdreg $0x60  }
0x26: {  	[dreg:$0x2] =	wrdreg s25  }
0x27: {  	[dreg:$0x3] =	wrdreg $0x9  }
0x28: {  	_ =	task.clear_ibuf [dreg:s6], $0x4FFFF;
	_ =	strace $0x9000004F  }
0x29: {  	s29 =	simm.s32 $0x9;
	_ =	strace $0x80000051  }
0x2a: {  	_ =	swait.ge [sflag:s29], $0x1  }
0x2b: {  	[sflag:s29] =	ssyncadd.s32 $0xFFFFFFFF  }
0x2c: {  	_ =	strace $0x90000051  }
0x2d: {  	_ =	sfence  }
0x2e: {  	s30 =	sld [smem:$0x0];
	_ =	sdelay $0x2  }
0x2f: {  	s31 =	sshll.u32 s3, $0xD;
	s3 =	sshrl.u32 s3, $0x2  }
0x30: {  	s2 =	sand.u32 $0x4000, s31;
	s1 =	sadd.s32 s3, s30  }
0x31: {  	s0 =	sor.u32 s2, s0;
	s1 =	sshll.u32 s1, $0x11  }
0x32: {  	s0 =	sor.u32 s1, s0  }
0x33: {  	s0 =	sadd.s32 $0x8F2B, s0  }
0x34: {  	[sflag:s0] =	ssyncadd.remote.s32 $0x1  }
0x35: {  	_ =	sfence.sel $0xFFFF  }
0x36: {  	[dreg:$0x0] =	wrdreg $0xFFFFFFFF;
	(pc) =	sbr.abs _section_cstart, $3  }
0x37: {  	[dreg:$0x1] =	wrdreg $0xFFFFFFFF  }
0x38: {  	_ =	task.clear_ibuf [dreg:s6], $0x2FFFF;
	_ =	strace $0x9FFFFFFF  }
0x39: {  	(tm) =	ssettm $0x7FFFFFFF  }
tec
execute0_lowered:
.L_overlay_start_1:
0x0: {  	(tag) =	ssettag $0x1  }
0x1: {  	s1 =	rddreg [dreg:$0x0]  }
0x2: {  	s0 =	rddreg [dreg:$0x1];
	_ =	strace $0x80000050  }
0x3: {  	s4 =	srdreg.scid;
	s6 =	simm.s32 $0x2;
	s11 =	simm.s32 $0x0  }
0x4: {  	p0 =	por $0x0, $0x0;
	s12 =	simm.s32 $0x0;
	s13 =	simm.s32 $0x0  }
.Ltmp0:
0x5: {  	s8 =	simm.s32 $0x0;
	s9 =	simm.s32 $0x0;
	(pc) =	sbr.rel .LBB1_1-.Ltmp0, $4  }
0x6: {  	s2 =	sadd.s32 $0x420000, s1;
	s3 =	sadd.s32 $0x1820000, s1;
	s4 =	sshll.u32 s4, $0x4  }
0x7: {  	s1 =	stileid.u32;
	s5 =	sand.u32 $0x10, s4;
	s4 =	simm.s32 $0x1  }
0x8: {  	s7 =	simm.s32 $0x0;
	s5 =	sor.u32 s1, s5;
	[sflag:s4] =	ssyncpa.u1 $0x0  }
0x9: {  	[sflag:s6] =	ssyncpa.u1 $0x0;
	s6 =	simm.s32 $0x2000;
	s10 =	smov.u32 s5  }
.LBB1_5:
0xa: {  	s14 =	sadd.s32 $0x1, s8  }
0xb: {  	s11 =	sadd.s32 $0x80, s9;
	s15 =	smov.u32 s9;
	p2 =	sgt.s32 s14, $0x27  }
0xc: {  	s15 =	smov.u32 @p2 s11  }
0xd: {  	s17 =	smov.u32 s10;
	s11 =	sadd.s32 $0x20, s10;
	p3 =	sgt.s32 s15, $0x3FF  }
0xe: {  	p1 =	slt.u32 s7, $0x2;
	s17 =	smov.u32 @p3 s11  }
0xf: {  	s7 =	sadd.s32 $0x1, s7;
	s14 =	simm.s32 @p2 $0x0;
	p2 =	sgt.s32 s17, $0x1F  }
0x10: {  	s17 =	smov.u32 @p2 s5;
	p2 =	sne.s32 s7, $0x142  }
.Ltmp1:
0x11: {  	s16 =	simm.s32 @!p1 $0x2;
	(pc) =	sbr.rel @!p2 .LBB1_6-.Ltmp1, $4  }
0x12: {  	s12 =	smov.u32 s9;
	_ =	swait.ge @!p1 [sflag:s16], $0x1000  }
0x13: {  	s13 =	smov.u32 s10;
	p0 =	por !p0, !p0;
	[sflag:s16] =	ssyncset.done @!p1 $0x0  }
0x14: {  	s15 =	simm.s32 @p3 $0x0;
	s11 =	smov.u32 s8;
	[sflag:s16] =	ssyncadd.s32 @!p1 $0xFFFFF000  }
0x15: {  	s8 =	smov.u32 s14;
	s9 =	smov.u32 s15;
	s10 =	smov.u32 s17  }
.LBB1_1:
0x16: {  	p1 =	sgt.u32 s7, $0x13F  }
0x17: {  	s14 =	sand.u32 @!p1 $0x1FFFFFF, s8;
	s16 =	smul.u32 @!p1 $0xA0000, s10  }
0x18: {  	s15 =	smulhi.u32 @!p1 $0x6666667, s14  }
0x19: {  	s18 =	smul.u32 @!p1 $0x280, s9  }
0x1a: {  	s15 =	smul.u32 @!p1 $0x28, s15  }
0x1b: {  	s16 =	sadd.s32 @!p1 s2, s16  }
0x1c: {  	s17 =	sxor.u32 @!p1 $0xFFFFFFFF, s7;
	s16 =	sadd.s32 @!p1 s18, s16;
	s14 =	ssub.s32 @!p1 s14, s15  }
0x1d: {  	s15 =	sshll.u32 @!p1 s17, $0xC;
	s17 =	simm.s32 @!p1 $0x1400;
	s14 =	sshll.u32 @!p1 s14, $0x4  }
0x1e: {  	s15 =	sand.u32 @!p1 $0x1000, s15;
	s14 =	sadd.s32 @!p1 s14, s16;
	s16 =	simm.s32 @!p1 $0x20  }
0x1f: {  	[tilespmem:s15], [sflag:$0x1] =	stream.strided.gather @!p1 [hbm4b:s14+s16], $0x1000, s17, s16, $0x38;
	[tilespmem:$0x4040] =	vst v63  }
0x20: {  	p1 =	seq.s32 s7, $0x0  }
0x21: {  	p2 =	seq.s32 @!p1 s7, $0x141  }
0x22: {  	p1 =	por p1, p2  }
.Ltmp2:
0x23: {  	_ = 	snop;
	(pc) =	sbr.rel @p1 .LBB1_5-.Ltmp2, $1  }
0x24: {  	_ =	sdelay $0x3  }
0x25: {  	s14 =	simm.s32 $0x1  }
0x26: {  	_ =	swait.ge [sflag:s4], $0x1000;
	s14 =	simm.s32 @!p0 $0x0  }
0x27: {  	[sflag:s4] =	ssyncset.done $0x0;
	s15 =	sshll.u32 s14, $0xC  }
0x28: {  	[sflag:s4] =	ssyncadd.s32 $0xFFFFF000;
	s18 =	sor.u32 $0x10, s15  }
0x29: {  	s14 =	smul.u32 $0x4080, s14;
	v1 =	vld [tilespmem:s18+$0x0]  }
0x2a: {  	s30 =	sand.u32 $0x1, s7;
	v0 =	vld [tilespmem:s18+$0xFFFFFFF0]  }
0x2b: {  	s15 =	smul.u32 $0x4080, s30;
	s14 =	sshrl.u32 s14, $0x2  }
0x2c: {  	s16 =	sor.u32 $0x2000, s14  }
0x2d: {  	s31 =	sshrl.u32 s15, $0x2;
	s15 =	sadd.s32 $0x0, s16  }
0x2e: {  	s17 =	simm.s32 $0x4;
	s18 =	sadd.s32 $0x20, s18;
	s14 =	sor.u32 $0x2000, s31;
	[tilespmem:s15+$0x810 ss:$0x81] =	vst.msk $0xffff, v1  }
.LBB1_3:
0x2f: {  	v1 =	vld [tilespmem:s18+$0x0];
	p1 =	sne.s32 s17, $0x1FC;
	[tilespmem:s15+$0x0 ss:$0x81] =	vst.msk $0xffff, v0;
	s15 =	smov.u32 s17;
	s17 =	sadd.s32 $0x4, s17  }
.Ltmp3:
0x30: {  	v0 =	vld [tilespmem:s18+$0xFFFFFFF0];
	(pc) =	sbr.rel @p1 .LBB1_3-.Ltmp3, $4  }
0x31: {  	_ = 	snop  }
0x32: {  	s15 =	sshra.s32 s15, $0x2  }
0x33: {  	s15 =	sadd.s32 s15, s16  }
0x34: {  	s18 =	sadd.s32 $0x20, s18;
	[tilespmem:s15+$0x810 ss:$0x81] =	vst.msk $0xffff, v1  }
0x35: {  	s13 =	smul.u32 $0x28000, s13  }
0x36: {  	s16 =	sand.u32 $0xF80, s12  }
.Ltmp4:
0x37: {  	s11 =	sshll.u32 s11, $0xC;
	s13 =	sadd.s32 s3, s13;
	(pc) =	sbr.rel .LBB1_5-.Ltmp4, $4  }
0x38: {  	s17 =	sshrl.u32 s12, $0x3;
	s30 =	sand.u32 $0x7, s12;
	s13 =	sadd.s32 s16, s13  }
0x39: {  	s31 =	sand.u32 $0xF, s17;
	s12 =	sshll.u32 s30, $0x12;
	s11 =	sadd.s32 s11, s13  }
0x3a: {  	[tilespmem:s15+$0x0 ss:$0x81] =	vst.msk $0xffff, v0;
	s12 =	sor.u32 $0x400, s12;
	s11 =	sadd.s32 s31, s11  }
0x3b: {  	[hbm4b:s11+s12] =	stream.strided.scatter [tilespmem:s14], [sflag:$0x2], $0x1000, s6, s12, $0x20;
	[tilespmem:$0x4040] =	vst v63  }
.LBB1_6:
0x3c: {  	_ =	sfence.sel $0x180000  }
0x3d: {  	s2 =	simm.s32 $0x1;
	[bflag:$0x0] =	sbarrier.arrive $0xFFFF  }
0x3e: {  	s31 =	simm.s32 $0x2;
	[sflag:s2] =	ssyncpa.u1 $0x1  }
0x3f: {  	[sflag:s31] =	ssyncpa.u1 $0x1  }
0x40: {  	p0 =	sne.s32 s1, $0x0;
	_ =	strace $0x90000050  }
0x41: {  	s0 =	sadd.s32 @!p0 $0x100000, s0;
	[bflag:$0x2] =	sbarrier.arrive $0xFFFF  }
0x42: {  	[sflag:s0] =	ssyncadd.tile.s32 @!p0 $0x1;
	_ =	shalt  }
.Lfunc_end1:
_tile_overlayer_lowered:
.L_overlay_start_2:
0x43: {  	(tag) =	ssettag $0x2  }
0x44: {  	s0 =	rddreg [dreg:$0x0];
	s2 =	stileid.u32  }
0x45: {  	s1 =	rddreg [dreg:$0x1];
	p0 =	sne.s32 s2, $0x0  }
0x46: {  	s3 =	rddreg [dreg:$0x2];
	[bflag:$0x3] =	sbarrier.arrive $0xFFFF;
	s2 =	simm.s32 @!p0 $0x1C01  }
0x47: {  	[timem:s3], [sflag:s2] =	dma.local @!p0 [hbm:s0], s1  }
0x48: {  	s0 =	simm.s32 @!p0 $0x1  }
0x49: {  	_ =	swait.ge @!p0 [sflag:s0], s1  }
0x4a: {  	s1 =	ssub.s32 @!p0 $0x0, s1;
	[sflag:s0] =	ssyncset.done @!p0 $0x0  }
0x4b: {  	[sflag:s0] =	ssyncadd.s32 @!p0 s1  }
0x4c: {  	[bflag:$0x3] =	sbarrier.arrive $0xFFFF  }
0x4d: {  	_ =	shalt  }

// kernel: sparse-core-data-format-call.5.cloned.1.call-start
scs
called_computation.5_lowered:
.L_overlay_start_0:
0x0: {  	s1 =	sld [smem:$0x3FD9]  }
0x1: {  	s2 =	sld [smem:$0x3FFE];
	_ =	sdelay $0x1  }
0x2: {  	s3 =	srdreg.scid  }
0x3: {  	s0 =	sand.u32 $0x1, s3  }
0x4: {  	s17 =	sshll.u32 s0, $0xA;
	s1 =	sadd.s32 s2, s1  }
0x5: {  	s1 =	sadd.s32 s1, s17  }
0x6: {  	[smem:$0x3FBA] =	sst s1  }
0x7: {  	_ = 	snop  }
0x8: {  	(tm) =	ssettm $0x1  }
0x9: {  	s18 =	sld [smem:$0x3FFB];
	_ =	sdelay $0x3  }
0xa: {  	_ =	strace s18  }
0xb: {  	s1 =	sld [smem:$0x3FFC];
	_ =	sdelay $0x3  }
0xc: {  	_ =	strace s1  }
0xd: {  	s1 =	sld [smem:$0x3FFD];
	_ =	sdelay $0x3  }
0xe: {  	_ =	strace s1  }
0xf: {  	_ =	strace $0x8FFFFFFF  }
0x10: {  	s19 =	sld [smem:$0x3FDB];
	_ =	sdelay $0x1  }
0x11: {  	s20 =	simm.s32 $_scs_section_size  }
0x12: {  	s4 =	simm.s32 $_size__tile_overlayer_lowered;
	s5 =	simm.s32 $_tile_overlayer_lowered  }
0x13: {  	s23 =	simm.s32 $0x1BFF;
	s22 =	sshll.u32 s5, $0x1;
	s1 =	sadd.s32 s20, s19  }
0x14: {  	s6 =	simm.s32 $0x0;
	s21 =	sshll.u32 s4, $0x1;
	s4 =	sadd.s32 s22, s1  }
0x15: {  	[timem:s6], [sflag:s23] =	dma.local [hbm:s4], s21  }
0x16: {  	_ =	swait.ge [sflag:s23], s21  }
0x17: {  	s2 =	ssub.s32 $0x0, s21;
	[sflag:s23] =	ssyncset.done $0x0  }
0x18: {  	[sflag:s23] =	ssyncadd.s32 s2;
	_ =	sdelay $0x1  }
0x19: {  	s24 =	simm.s32 $0x1B8B  }
0x1a: {  	_ =	swait.ge [sflag:s24], $0x1  }
0x1b: {  	[sflag:s24] =	ssyncset.done $0x0  }
0x1c: {  	s26 =	simm.s32 $0x1B8E;
	s25 =	sld [smem:$0x3FFE];
	[sflag:s24] =	ssyncadd.s32 $0xFFFFFFFF  }
0x1d: {  	s27 =	simm.s32 $execute0_lowered;
	[smem:$0x3FD2] =	sst s26  }
0x1e: {  	s4 =	sshll.u32 s27, $0x1;
	_ =	strace $0x8000004C;
	[dreg:$0x1] =	wrdreg $0xFFFFFFFF  }
0x1f: {  	s28 =	simm.s32 $_size_execute0_lowered;
	s1 =	sadd.s32 s1, s4;
	[dreg:$0x0] =	wrdreg $0x0  }
0x20: {  	s4 =	sshll.u32 s28, $0x1;
	[dreg:$0x2] =	wrdreg s1  }
0x21: {  	[dreg:$0x3] =	wrdreg s4  }
0x22: {  	[dreg:$0x4] =	wrdreg $0xC0  }
0x23: {  	_ =	task [dreg:s6], $0x5FFFF  }
0x24: {  	[dreg:$0x1] =	wrdreg $0xFFFFFFFF  }
0x25: {  	[dreg:$0x0] =	wrdreg $0x60  }
0x26: {  	[dreg:$0x2] =	wrdreg s25  }
0x27: {  	[dreg:$0x3] =	wrdreg $0x9  }
0x28: {  	_ =	task.clear_ibuf [dreg:s6], $0x4FFFF;
	_ =	strace $0x9000004C  }
0x29: {  	s29 =	simm.s32 $0x9;
	_ =	strace $0x8000004E  }
0x2a: {  	_ =	swait.ge [sflag:s29], $0x1  }
0x2b: {  	[sflag:s29] =	ssyncadd.s32 $0xFFFFFFFF  }
0x2c: {  	_ =	strace $0x9000004E  }
0x2d: {  	_ =	sfence  }
0x2e: {  	s30 =	sld [smem:$0x0];
	_ =	sdelay $0x2  }
0x2f: {  	s31 =	sshll.u32 s3, $0xD;
	s3 =	sshrl.u32 s3, $0x2  }
0x30: {  	s2 =	sand.u32 $0x4000, s31;
	s1 =	sadd.s32 s3, s30  }
0x31: {  	s0 =	sor.u32 s2, s0;
	s1 =	sshll.u32 s1, $0x11  }
0x32: {  	s0 =	sor.u32 s1, s0  }
0x33: {  	s0 =	sadd.s32 $0x8F2B, s0  }
0x34: {  	[sflag:s0] =	ssyncadd.remote.s32 $0x1  }
0x35: {  	_ =	sfence.sel $0xFFFF  }
0x36: {  	[dreg:$0x0] =	wrdreg $0xFFFFFFFF;
	(pc) =	sbr.abs _section_cstart, $3  }
0x37: {  	[dreg:$0x1] =	wrdreg $0xFFFFFFFF  }
0x38: {  	_ =	task.clear_ibuf [dreg:s6], $0x2FFFF;
	_ =	strace $0x9FFFFFFF  }
0x39: {  	(tm) =	ssettm $0x7FFFFFFF  }
tec
execute0_lowered:
.L_overlay_start_1:
0x0: {  	(tag) =	ssettag $0x1  }
0x1: {  	s1 =	rddreg [dreg:$0x0]  }
0x2: {  	s0 =	rddreg [dreg:$0x1];
	_ =	strace $0x8000004D  }
0x3: {  	s4 =	srdreg.scid;
	s6 =	simm.s32 $0x2;
	s13 =	simm.s32 $0x0  }
0x4: {  	p0 =	por $0x0, $0x0;
	s11 =	simm.s32 $0x0;
	s12 =	simm.s32 $0x0  }
.Ltmp0:
0x5: {  	s8 =	simm.s32 $0x0;
	s9 =	simm.s32 $0x0;
	(pc) =	sbr.rel .LBB1_1-.Ltmp0, $4  }
0x6: {  	s2 =	sadd.s32 $0x420000, s1;
	s3 =	sadd.s32 $0x820000, s1;
	s4 =	sshll.u32 s4, $0x4  }
0x7: {  	s1 =	stileid.u32;
	s5 =	sand.u32 $0x10, s4;
	s4 =	simm.s32 $0x1  }
0x8: {  	s7 =	simm.s32 $0x0;
	s5 =	sor.u32 s1, s5;
	[sflag:s4] =	ssyncpa.u1 $0x0  }
0x9: {  	[sflag:s6] =	ssyncpa.u1 $0x0;
	s6 =	simm.s32 $0x2000;
	s10 =	smov.u32 s5  }
.LBB1_5:
0xa: {  	s14 =	sadd.s32 $0x80, s8  }
0xb: {  	s11 =	sadd.s32 $0x80, s9;
	s15 =	smov.u32 s9;
	p2 =	sgt.s32 s14, $0x3FF  }
0xc: {  	s15 =	smov.u32 @p2 s11  }
0xd: {  	s17 =	smov.u32 s10;
	s11 =	sadd.s32 $0x20, s10;
	p3 =	sgt.s32 s15, $0x3FF  }
0xe: {  	p1 =	slt.u32 s7, $0x2;
	s17 =	smov.u32 @p3 s11  }
0xf: {  	s7 =	sadd.s32 $0x1, s7;
	s14 =	simm.s32 @p2 $0x0;
	p2 =	sgt.s32 s17, $0x1F  }
0x10: {  	s17 =	smov.u32 @p2 s5;
	p2 =	sne.s32 s7, $0x42  }
.Ltmp1:
0x11: {  	s16 =	simm.s32 @!p1 $0x2;
	(pc) =	sbr.rel @!p2 .LBB1_6-.Ltmp1, $4  }
0x12: {  	s13 =	smov.u32 s8;
	_ =	swait.ge @!p1 [sflag:s16], $0x4000  }
0x13: {  	s12 =	smov.u32 s10;
	p0 =	por !p0, !p0;
	[sflag:s16] =	ssyncset.done @!p1 $0x0  }
0x14: {  	s8 =	smov.u32 s14;
	s15 =	simm.s32 @p3 $0x0;
	s11 =	smov.u32 s9  }
0x15: {  	[sflag:s16] =	ssyncadd.s32 @!p1 $0xFFFFC000;
	s9 =	smov.u32 s15;
	s10 =	smov.u32 s17  }
.LBB1_1:
0x16: {  	p1 =	sgt.u32 s7, $0x3F  }
0x17: {  	s14 =	sshll.u32 @!p1 s9, $0x7  }
0x18: {  	s15 =	sxor.u32 @!p1 $0xFFFFFFFF, s7;
	s16 =	sand.u32 @!p1 $0x78, s8;
	s17 =	sand.u32 @!p1 $0x380, s14  }
0x19: {  	s15 =	sshll.u32 @!p1 s15, $0xE;
	s16 =	sor.u32 @!p1 s16, s17;
	s17 =	sshll.u32 @!p1 s10, $0x11  }
0x1a: {  	s14 =	sand.u32 @!p1 $0x1FC00, s14;
	s16 =	sshrl.u32 @!p1 s16, $0x3;
	s17 =	sadd.s32 @!p1 s2, s17  }
0x1b: {  	s14 =	sadd.s32 @!p1 s8, s14;
	s16 =	sadd.s32 @!p1 s16, s17;
	s17 =	sand.u32 @!p1 $0x7, s8  }
0x1c: {  	s15 =	sand.u32 @!p1 $0x4000, s15;
	s14 =	sand.u32 @!p1 $0x1FF80, s14;
	s17 =	sshll.u32 @!p1 s17, $0x12  }
0x1d: {  	s14 =	sadd.s32 @!p1 s14, s16;
	s16 =	sor.u32 @!p1 $0x400, s17;
	s17 =	simm.s32 @!p1 $0x2000  }
0x1e: {  	[tilespmem:s15], [sflag:$0x1] =	stream.strided.gather @!p1 [hbm4b:s14+s16], $0x4000, s17, s16, $0x38;
	[tilespmem:$0x10100] =	vst v63  }
0x1f: {  	p1 =	seq.s32 s7, $0x0  }
0x20: {  	p2 =	seq.s32 @!p1 s7, $0x41  }
0x21: {  	p1 =	por p1, p2  }
.Ltmp2:
0x22: {  	_ = 	snop;
	(pc) =	sbr.rel @p1 .LBB1_5-.Ltmp2, $1  }
0x23: {  	_ =	sdelay $0x3  }
0x24: {  	s14 =	simm.s32 $0x1  }
0x25: {  	_ =	swait.ge [sflag:s4], $0x4000;
	s14 =	simm.s32 @!p0 $0x0  }
0x26: {  	[sflag:s4] =	ssyncset.done $0x0;
	s15 =	sshll.u32 s14, $0xE  }
0x27: {  	[sflag:s4] =	ssyncadd.s32 $0xFFFFC000;
	s17 =	sor.u32 $0x40, s15  }
0x28: {  	s14 =	smul.u32 $0x10200, s14;
	v0 =	vld [tilespmem:s17+$0x30]  }
0x29: {  	v3 =	vld [tilespmem:s17+$0xFFFFFFD0]  }
0x2a: {  	s14 =	sshrl.u32 s14, $0x2;
	v4 =	vld [tilespmem:s17+$0xFFFFFFE0]  }
0x2b: {  	v5 =	vld [tilespmem:s17+$0xFFFFFFF0];
	s15 =	sor.u32 $0x8000, s14  }
0x2c: {  	s31 =	sand.u32 $0x1, s7;
	v1 =	vld [tilespmem:s17+$0x0];
	s16 =	sadd.s32 $0x0, s15  }
0x2d: {  	v2 =	vld [tilespmem:s17+$0x10];
	s14 =	smul.u32 $0x10200, s31;
	[tilespmem:s16+$0x3870 ss:$0x81] =	vst.msk $0xffff, v0  }
0x2e: {  	[tilespmem:s16+$0x810 ss:$0x81] =	vst.msk $0xffff, v3;
	v3 =	vld [tilespmem:s17+$0x20]  }
0x2f: {  	s14 =	sshrl.u32 s14, $0x2;
	v0 =	vld [tilespmem:s17+$0xFFFFFFC0];
	[tilespmem:s16+$0x1020 ss:$0x81] =	vst.msk $0xffff, v4;
	s17 =	sadd.s32 $0x80, s17  }
0x30: {  	s18 =	simm.s32 $0x4;
	s19 =	simm.s32 $0x8;
	s14 =	sor.u32 $0x8000, s14;
	[tilespmem:s16+$0x1830 ss:$0x81] =	vst.msk $0xffff, v5;
	v4 =	vld [tilespmem:s17+$0x30]  }
.LBB1_3:
0x31: {  	p1 =	sne.s32 s19, $0x1FC;
	v5 =	vld [tilespmem:s17+$0xFFFFFFD0];
	[tilespmem:s16+$0x2040 ss:$0x81] =	vst.msk $0xffff, v1  }
0x32: {  	v6 =	vld [tilespmem:s17+$0xFFFFFFE0];
	[tilespmem:s16+$0x2850 ss:$0x81] =	vst.msk $0xffff, v2  }
0x33: {  	s20 =	sshra.s32 s18, $0x2;
	s18 =	smov.u32 s19;
	v7 =	vld [tilespmem:s17+$0xFFFFFFF0];
	[tilespmem:s16+$0x3060 ss:$0x81] =	vst.msk $0xffff, v3  }
.Ltmp3:
0x34: {  	v1 =	vld [tilespmem:s17+$0x0];
	[tilespmem:s16+$0x0 ss:$0x81] =	vst.msk $0xffff, v0;
	s16 =	sadd.s32 s20, s15;
	(pc) =	sbr.rel @p1 .LBB1_3-.Ltmp3, $4  }
0x35: {  	v2 =	vld [tilespmem:s17+$0x10];
	[tilespmem:s16+$0x3870 ss:$0x81] =	vst.msk $0xffff, v4  }
0x36: {  	[tilespmem:s16+$0x810 ss:$0x81] =	vst.msk $0xffff, v5;
	v3 =	vld [tilespmem:s17+$0x20]  }
0x37: {  	v0 =	vld [tilespmem:s17+$0xFFFFFFC0];
	[tilespmem:s16+$0x1020 ss:$0x81] =	vst.msk $0xffff, v6;
	s17 =	sadd.s32 $0x80, s17  }
0x38: {  	s19 =	sadd.s32 $0x4, s19;
	v4 =	vld [tilespmem:s17+$0x30];
	[tilespmem:s16+$0x1830 ss:$0x81] =	vst.msk $0xffff, v7  }
0x39: {  	v5 =	vld [tilespmem:s17+$0xFFFFFFD0];
	[tilespmem:s16+$0x2040 ss:$0x81] =	vst.msk $0xffff, v1  }
0x3a: {  	v58 =	vld [tilespmem:s17+$0xFFFFFFE0];
	[tilespmem:s16+$0x2850 ss:$0x81] =	vst.msk $0xffff, v2  }
0x3b: {  	s18 =	sshra.s32 s18, $0x2;
	v59 =	vld [tilespmem:s17+$0xFFFFFFF0];
	[tilespmem:s16+$0x3060 ss:$0x81] =	vst.msk $0xffff, v3  }
0x3c: {  	v60 =	vld [tilespmem:s17+$0x0];
	s15 =	sadd.s32 s18, s15;
	[tilespmem:s16+$0x0 ss:$0x81] =	vst.msk $0xffff, v0  }
0x3d: {  	v61 =	vld [tilespmem:s17+$0x10];
	[tilespmem:s15+$0x3870 ss:$0x81] =	vst.msk $0xffff, v4  }
0x3e: {  	v62 =	vld [tilespmem:s17+$0x20];
	s26 =	sshll.u32 s13, $0xA;
	s27 =	sshll.u32 s11, $0x3;
	s29 =	sshll.u32 s13, $0x7;
	[tilespmem:s15+$0x810 ss:$0x81] =	vst.msk $0xffff, v5  }
0x3f: {  	v63 =	vld [tilespmem:s17+$0xFFFFFFC0];
	s30 =	sand.u32 $0x78, s11;
	s12 =	sshll.u32 s12, $0x11;
	s31 =	sand.u32 $0x7, s11;
	[tilespmem:s15+$0x1020 ss:$0x81] =	vst.msk $0xffff, v58  }
0x40: {  	s28 =	sand.u32 $0xFFC00, s27;
	s13 =	sand.u32 $0x380, s29;
	s16 =	sand.u32 $0xFE000, s26;
	[tilespmem:s15+$0x1830 ss:$0x81] =	vst.msk $0xffff, v59  }
.Ltmp4:
0x41: {  	s13 =	sor.u32 s30, s13;
	s16 =	sadd.s32 s28, s16;
	[tilespmem:s15+$0x2040 ss:$0x81] =	vst.msk $0xffff, v60;
	(pc) =	sbr.rel .LBB1_5-.Ltmp4, $4  }
0x42: {  	s12 =	sadd.s32 s3, s12;
	s13 =	sshrl.u32 s13, $0x3;
	s16 =	sshrl.u32 s16, $0x3;
	[tilespmem:s15+$0x2850 ss:$0x81] =	vst.msk $0xffff, v61  }
0x43: {  	s11 =	sshll.u32 s31, $0x12;
	s12 =	sadd.s32 s13, s12;
	[tilespmem:s15+$0x3060 ss:$0x81] =	vst.msk $0xffff, v62;
	s16 =	sand.u32 $0x1FF80, s16  }
0x44: {  	s11 =	sor.u32 $0x400, s11;
	[tilespmem:s15+$0x0 ss:$0x81] =	vst.msk $0xffff, v63;
	s12 =	sadd.s32 s16, s12  }
0x45: {  	[hbm4b:s12+s11] =	stream.strided.scatter [tilespmem:s14], [sflag:$0x2], $0x4000, s6, s11, $0x20;
	[tilespmem:$0x10100] =	vst v63  }
.LBB1_6:
0x46: {  	_ =	sfence.sel $0x180000  }
0x47: {  	s2 =	simm.s32 $0x1;
	[bflag:$0x0] =	sbarrier.arrive $0xFFFF  }
0x48: {  	s31 =	simm.s32 $0x2;
	[sflag:s2] =	ssyncpa.u1 $0x1  }
0x49: {  	[sflag:s31] =	ssyncpa.u1 $0x1  }
0x4a: {  	p0 =	sne.s32 s1, $0x0;
	_ =	strace $0x9000004D  }
0x4b: {  	s0 =	sadd.s32 @!p0 $0x100000, s0;
	[bflag:$0x2] =	sbarrier.arrive $0xFFFF  }
0x4c: {  	[sflag:s0] =	ssyncadd.tile.s32 @!p0 $0x1;
	_ =	shalt  }
.Lfunc_end1:
_tile_overlayer_lowered:
.L_overlay_start_2:
0x4d: {  	(tag) =	ssettag $0x2  }
0x4e: {  	s0 =	rddreg [dreg:$0x0];
	s2 =	stileid.u32  }
0x4f: {  	s1 =	rddreg [dreg:$0x1];
	p0 =	sne.s32 s2, $0x0  }
0x50: {  	s3 =	rddreg [dreg:$0x2];
	[bflag:$0x3] =	sbarrier.arrive $0xFFFF;
	s2 =	simm.s32 @!p0 $0x1C01  }
0x51: {  	[timem:s3], [sflag:s2] =	dma.local @!p0 [hbm:s0], s1  }
0x52: {  	s0 =	simm.s32 @!p0 $0x1  }
0x53: {  	_ =	swait.ge @!p0 [sflag:s0], s1  }
0x54: {  	s1 =	ssub.s32 @!p0 $0x0, s1;
	[sflag:s0] =	ssyncset.done @!p0 $0x0  }
0x55: {  	[sflag:s0] =	ssyncadd.s32 @!p0 s1  }
0x56: {  	[bflag:$0x3] =	sbarrier.arrive $0xFFFF  }
0x57: {  	_ =	shalt  }

// kernel: sparse-core-data-format-call.6.cloned.1.call-start
scs
called_computation.6_lowered:
.L_overlay_start_0:
0x0: {  	s1 =	sld [smem:$0x3FD9]  }
0x1: {  	s2 =	sld [smem:$0x3FFE];
	_ =	sdelay $0x1  }
0x2: {  	s3 =	srdreg.scid  }
0x3: {  	s0 =	sand.u32 $0x1, s3  }
0x4: {  	s17 =	sshll.u32 s0, $0xA;
	s1 =	sadd.s32 s2, s1  }
0x5: {  	s1 =	sadd.s32 s1, s17  }
0x6: {  	[smem:$0x3FBA] =	sst s1  }
0x7: {  	_ = 	snop  }
0x8: {  	(tm) =	ssettm $0x1  }
0x9: {  	s18 =	sld [smem:$0x3FFB];
	_ =	sdelay $0x3  }
0xa: {  	_ =	strace s18  }
0xb: {  	s1 =	sld [smem:$0x3FFC];
	_ =	sdelay $0x3  }
0xc: {  	_ =	strace s1  }
0xd: {  	s1 =	sld [smem:$0x3FFD];
	_ =	sdelay $0x3  }
0xe: {  	_ =	strace s1  }
0xf: {  	_ =	strace $0x8FFFFFFF  }
0x10: {  	s19 =	sld [smem:$0x3FDB];
	_ =	sdelay $0x1  }
0x11: {  	s20 =	simm.s32 $_scs_section_size  }
0x12: {  	s4 =	simm.s32 $_size__tile_overlayer_lowered;
	s5 =	simm.s32 $_tile_overlayer_lowered  }
0x13: {  	s23 =	simm.s32 $0x1BFF;
	s22 =	sshll.u32 s5, $0x1;
	s1 =	sadd.s32 s20, s19  }
0x14: {  	s6 =	simm.s32 $0x0;
	s21 =	sshll.u32 s4, $0x1;
	s4 =	sadd.s32 s22, s1  }
0x15: {  	[timem:s6], [sflag:s23] =	dma.local [hbm:s4], s21  }
0x16: {  	_ =	swait.ge [sflag:s23], s21  }
0x17: {  	s2 =	ssub.s32 $0x0, s21;
	[sflag:s23] =	ssyncset.done $0x0  }
0x18: {  	[sflag:s23] =	ssyncadd.s32 s2;
	_ =	sdelay $0x1  }
0x19: {  	s24 =	simm.s32 $0x1B8B  }
0x1a: {  	_ =	swait.ge [sflag:s24], $0x1  }
0x1b: {  	[sflag:s24] =	ssyncset.done $0x0  }
0x1c: {  	s26 =	simm.s32 $0x1B8E;
	s25 =	sld [smem:$0x3FFE];
	[sflag:s24] =	ssyncadd.s32 $0xFFFFFFFF  }
0x1d: {  	s27 =	simm.s32 $execute0_lowered;
	[smem:$0x3FD2] =	sst s26  }
0x1e: {  	s4 =	sshll.u32 s27, $0x1;
	_ =	strace $0x80000049;
	[dreg:$0x1] =	wrdreg $0xFFFFFFFF  }
0x1f: {  	s28 =	simm.s32 $_size_execute0_lowered;
	s1 =	sadd.s32 s1, s4;
	[dreg:$0x0] =	wrdreg $0x0  }
0x20: {  	s4 =	sshll.u32 s28, $0x1;
	[dreg:$0x2] =	wrdreg s1  }
0x21: {  	[dreg:$0x3] =	wrdreg s4  }
0x22: {  	[dreg:$0x4] =	wrdreg $0xC0  }
0x23: {  	_ =	task [dreg:s6], $0x5FFFF  }
0x24: {  	[dreg:$0x1] =	wrdreg $0xFFFFFFFF  }
0x25: {  	[dreg:$0x0] =	wrdreg $0x60  }
0x26: {  	[dreg:$0x2] =	wrdreg s25  }
0x27: {  	[dreg:$0x3] =	wrdreg $0x9  }
0x28: {  	_ =	task.clear_ibuf [dreg:s6], $0x4FFFF;
	_ =	strace $0x90000049  }
0x29: {  	s29 =	simm.s32 $0x9;
	_ =	strace $0x8000004B  }
0x2a: {  	_ =	swait.ge [sflag:s29], $0x1  }
0x2b: {  	[sflag:s29] =	ssyncadd.s32 $0xFFFFFFFF  }
0x2c: {  	_ =	strace $0x9000004B  }
0x2d: {  	_ =	sfence  }
0x2e: {  	s30 =	sld [smem:$0x0];
	_ =	sdelay $0x2  }
0x2f: {  	s31 =	sshll.u32 s3, $0xD;
	s3 =	sshrl.u32 s3, $0x2  }
0x30: {  	s2 =	sand.u32 $0x4000, s31;
	s1 =	sadd.s32 s3, s30  }
0x31: {  	s0 =	sor.u32 s2, s0;
	s1 =	sshll.u32 s1, $0x11  }
0x32: {  	s0 =	sor.u32 s1, s0  }
0x33: {  	s0 =	sadd.s32 $0x8F2B, s0  }
0x34: {  	[sflag:s0] =	ssyncadd.remote.s32 $0x1  }
0x35: {  	_ =	sfence.sel $0xFFFF  }
0x36: {  	[dreg:$0x0] =	wrdreg $0xFFFFFFFF;
	(pc) =	sbr.abs _section_cstart, $3  }
0x37: {  	[dreg:$0x1] =	wrdreg $0xFFFFFFFF  }
0x38: {  	_ =	task.clear_ibuf [dreg:s6], $0x2FFFF;
	_ =	strace $0x9FFFFFFF  }
0x39: {  	(tm) =	ssettm $0x7FFFFFFF  }
tec
execute0_lowered:
.L_overlay_start_1:
0x0: {  	(tag) =	ssettag $0x1  }
0x1: {  	s0 =	rddreg [dreg:$0x0];
	s2 =	stileid.u32  }
0x2: {  	_ =	strace $0x8000004A;
	s10 =	srdreg.scid;
	s19 =	simm.s32 $0x2  }
0x3: {  	s28 =	simm.s32 $0x0;
	s1 =	sshll.u32 s2, $0x4;
	s3 =	sshll.u32 s2, $0x6  }
0x4: {  	s31 =	simm.s32 $0x0;
	s2 =	sand.u32 $0x10, s1;
	s3 =	sand.u32 $0x380, s3  }
0x5: {  	s1 =	sshll.u32 s10, $0x3;
	s4 =	ssub.s32 $0x20, s2;
	s5 =	ssub.s32 $0x400, s3  }
0x6: {  	s27 =	sand.u32 $0x8, s1;
	s29 =	smov.u32 s3;
	s30 =	smov.u32 s2  }
0x7: {  	s6 =	sshrl.u32 s4, $0x5;
	s7 =	sand.u32 $0x380, s5;
	s4 =	sshrl.u32 s4, $0x4  }
0x8: {  	s5 =	sshrl.u32 s5, $0xA;
	s13 =	sshrl.u32 s27, $0x3;
	p0 =	sne.s32 s7, $0x0  }
0x9: {  	s7 =	simm.s32 $0x1;
	s4 =	sand.u32 $0x1, s4;
	s14 =	sadd.s32 s13, s0  }
0xa: {  	s0 =	sadd.s32 $0x1800000, s0;
	s7 =	simm.s32 @!p0 $0x0;
	s11 =	sadd.s32 s6, s4  }
0xb: {  	[dreg:$0x2] =	wrdreg s0;
	s20 =	sadd.s32 $0x400000, s14;
	s21 =	sadd.s32 $0x4A0000, s14  }
0xc: {  	s22 =	sadd.s32 $0x540000, s14;
	s23 =	sadd.s32 $0x5E0000, s14;
	s24 =	sadd.s32 $0x680000, s14  }
0xd: {  	s25 =	sadd.s32 $0x720000, s14;
	s26 =	sadd.s32 $0x7C0000, s14;
	[dreg:$0x3] =	wrdreg s20  }
0xe: {  	s15 =	sadd.s32 $0x860000, s14;
	s16 =	sadd.s32 $0x900000, s14;
	[dreg:$0x4] =	wrdreg s21  }
0xf: {  	s17 =	sadd.s32 $0x9A0000, s14;
	s18 =	sadd.s32 $0xA40000, s14;
	[dreg:$0x5] =	wrdreg s22  }
0x10: {  	s4 =	simm.s32 $0x0;
	p0 =	por $0x0, $0x0;
	[dreg:$0x6] =	wrdreg s23  }
0x11: {  	s0 =	simm.s32 $0x0;
	s12 =	sadd.s32 s7, s5;
	[dreg:$0x7] =	wrdreg s24  }
0x12: {  	s6 =	simm.s32 $0x0;
	[dreg:$0x8] =	wrdreg s25;
	s1 =	smul.u32 s11, s12  }
.Ltmp0:
0x13: {  	s5 =	simm.s32 $0x1;
	[dreg:$0x9] =	wrdreg s26;
	(pc) =	sbr.rel .LBB1_1-.Ltmp0, $4  }
0x14: {  	s20 =	sadd.s32 $0xB80000, s14;
	s21 =	sadd.s32 $0xC20000, s14;
	s22 =	sadd.s32 $0xCC0000, s14  }
0x15: {  	s23 =	sadd.s32 $0xD60000, s14;
	[sflag:s5] =	ssyncpa.u1 $0x0;
	s7 =	smul.u32 $0x28, s1  }
0x16: {  	s25 =	simm.s32 $0x8;
	s26 =	simm.s32 $0x1400;
	[sflag:s19] =	ssyncpa.u1 $0x0  }
0x17: {  	s19 =	sadd.s32 $0xAE0000, s14;
	s1 =	simm.s32 $0x0;
	s24 =	sor.u32 $0x1, s7  }
.LBB1_9:
0x18: {  	s8 =	sadd.s32 $0x1, s28  }
0x19: {  	s0 =	sadd.s32 $0x400, s29;
	s9 =	smov.u32 s29;
	p2 =	sgt.s32 s8, $0x27  }
0x1a: {  	s9 =	smov.u32 @p2 s0  }
0x1b: {  	s10 =	smov.u32 s30;
	s0 =	sadd.s32 $0x20, s30;
	p3 =	sgt.s32 s9, $0x3FF  }
0x1c: {  	s10 =	smov.u32 @p3 s0  }
0x1d: {  	s8 =	simm.s32 @p2 $0x0;
	p2 =	sgt.s32 s10, $0x1F  }
0x1e: {  	p1 =	slt.u32 s31, $0x2;
	s10 =	smov.u32 @p2 s2;
	p2 =	sne.s32 s31, s24  }
.Ltmp1:
0x1f: {  	s1 =	smov.u32 s28;
	s4 =	simm.s32 @!p1 $0x2;
	(pc) =	sbr.rel @!p2 .LBB1_10-.Ltmp1, $4  }
0x20: {  	s6 =	smov.u32 s30;
	p0 =	por !p0, !p0;
	_ =	swait.ge @!p1 [sflag:s4], $0x4000  }
0x21: {  	[sflag:s4] =	ssyncset.done @!p1 $0x0;
	s28 =	smov.u32 s8;
	s9 =	smov.u32 @p3 s3  }
0x22: {  	s0 =	smov.u32 s29;
	[sflag:s4] =	ssyncadd.s32 @!p1 $0xFFFFC000;
	s4 =	smov.u32 s27  }
0x23: {  	s29 =	smov.u32 s9;
	s31 =	sadd.s32 $0x1, s31;
	s30 =	smov.u32 s10  }
.LBB1_1:
0x24: {  	p1 =	sge.u32 s31, s7  }
.Ltmp2:
0x25: {  	_ = 	snop;
	(pc) =	sbr.rel @p1 .LBB1_3-.Ltmp2, $1  }
0x26: {  	_ =	sdelay $0x3  }
0x27: {  	s10 =	sand.u32 $0x1FFFFFF, s28  }
0x28: {  	s8 =	smulhi.u32 $0x6666667, s10  }
0x29: {  	s9 =	smul.u32 $0x280, s29  }
0x2a: {  	s11 =	smul.u32 $0x28, s8  }
0x2b: {  	s8 =	smul.u32 $0xA0000, s30  }
0x2c: {  	s12 =	sxor.u32 $0xFFFFFFFF, s31  }
0x2d: {  	s13 =	rddreg [dreg:$0x3];
	s10 =	ssub.s32 s10, s11;
	s14 =	sadd.s32 s8, s9  }
0x2e: {  	s12 =	sshll.u32 s12, $0xE;
	s10 =	sshll.u32 s10, $0x4;
	s13 =	sadd.s32 s13, s14  }
0x2f: {  	s11 =	sand.u32 $0x4000, s12;
	s14 =	sadd.s32 s10, s13;
	s13 =	rddreg [dreg:$0x4]  }
0x30: {  	[tilespmem:s11], [sflag:$0x1] =	stream.strided.gather [hbm4b:s14+s25], $0x400, s26, s25, $0x38;
	[tilespmem:$0x10100] =	vst v63  }
0x31: {  	s12 =	sadd.s32 s8, s13  }
0x32: {  	s12 =	sadd.s32 s9, s12  }
0x33: {  	s14 =	sor.u32 $0x400, s11;
	s13 =	rddreg [dreg:$0x5];
	s12 =	sadd.s32 s10, s12  }
0x34: {  	[tilespmem:s14], [sflag:$0x1] =	stream.strided.gather [hbm4b:s12+s25], $0x400, s26, s25, $0x38;
	[tilespmem:$0x10100] =	vst v63  }
0x35: {  	s12 =	sadd.s32 s8, s13  }
0x36: {  	s12 =	sadd.s32 s9, s12  }
0x37: {  	s14 =	sor.u32 $0x800, s11;
	s13 =	rddreg [dreg:$0x6];
	s12 =	sadd.s32 s10, s12  }
0x38: {  	[tilespmem:s14], [sflag:$0x1] =	stream.strided.gather [hbm4b:s12+s25], $0x400, s26, s25, $0x38;
	[tilespmem:$0x10100] =	vst v63  }
0x39: {  	s12 =	sadd.s32 s8, s13  }
0x3a: {  	s12 =	sadd.s32 s9, s12  }
0x3b: {  	s14 =	sor.u32 $0xC00, s11;
	s13 =	rddreg [dreg:$0x7];
	s12 =	sadd.s32 s10, s12  }
0x3c: {  	[tilespmem:s14], [sflag:$0x1] =	stream.strided.gather [hbm4b:s12+s25], $0x400, s26, s25, $0x38;
	[tilespmem:$0x10100] =	vst v63  }
0x3d: {  	s12 =	sadd.s32 s8, s13  }
0x3e: {  	s12 =	sadd.s32 s9, s12  }
0x3f: {  	s14 =	sor.u32 $0x1000, s11;
	s13 =	rddreg [dreg:$0x8];
	s12 =	sadd.s32 s10, s12  }
0x40: {  	[tilespmem:s14], [sflag:$0x1] =	stream.strided.gather [hbm4b:s12+s25], $0x400, s26, s25, $0x38;
	[tilespmem:$0x10100] =	vst v63  }
0x41: {  	s12 =	sadd.s32 s8, s13  }
0x42: {  	s12 =	sadd.s32 s9, s12  }
0x43: {  	s14 =	sor.u32 $0x1400, s11;
	s13 =	rddreg [dreg:$0x9];
	s12 =	sadd.s32 s10, s12  }
0x44: {  	[tilespmem:s14], [sflag:$0x1] =	stream.strided.gather [hbm4b:s12+s25], $0x400, s26, s25, $0x38;
	[tilespmem:$0x10100] =	vst v63  }
0x45: {  	s12 =	sadd.s32 s8, s13  }
0x46: {  	s12 =	sadd.s32 s9, s12  }
0x47: {  	s14 =	sor.u32 $0x1800, s11;
	s13 =	sadd.s32 s8, s15;
	s12 =	sadd.s32 s10, s12  }
0x48: {  	[tilespmem:s14], [sflag:$0x1] =	stream.strided.gather [hbm4b:s12+s25], $0x400, s26, s25, $0x38;
	[tilespmem:$0x10100] =	vst v63  }
0x49: {  	s12 =	sadd.s32 s9, s13  }
0x4a: {  	s14 =	sor.u32 $0x1C00, s11;
	s13 =	sadd.s32 s8, s16;
	s12 =	sadd.s32 s10, s12  }
0x4b: {  	[tilespmem:s14], [sflag:$0x1] =	stream.strided.gather [hbm4b:s12+s25], $0x400, s26, s25, $0x38;
	[tilespmem:$0x10100] =	vst v63  }
0x4c: {  	s12 =	sadd.s32 s9, s13  }
0x4d: {  	s14 =	sor.u32 $0x2000, s11;
	s13 =	sadd.s32 s8, s17;
	s12 =	sadd.s32 s10, s12  }
0x4e: {  	[tilespmem:s14], [sflag:$0x1] =	stream.strided.gather [hbm4b:s12+s25], $0x400, s26, s25, $0x38;
	[tilespmem:$0x10100] =	vst v63  }
0x4f: {  	s12 =	sadd.s32 s9, s13  }
0x50: {  	s14 =	sor.u32 $0x2400, s11;
	s13 =	sadd.s32 s8, s18;
	s12 =	sadd.s32 s10, s12  }
0x51: {  	[tilespmem:s14], [sflag:$0x1] =	stream.strided.gather [hbm4b:s12+s25], $0x400, s26, s25, $0x38;
	[tilespmem:$0x10100] =	vst v63  }
0x52: {  	s12 =	sadd.s32 s9, s13  }
0x53: {  	s14 =	sor.u32 $0x2800, s11;
	s13 =	sadd.s32 s8, s19;
	s12 =	sadd.s32 s10, s12  }
0x54: {  	[tilespmem:s14], [sflag:$0x1] =	stream.strided.gather [hbm4b:s12+s25], $0x400, s26, s25, $0x38;
	[tilespmem:$0x10100] =	vst v63  }
0x55: {  	s12 =	sadd.s32 s9, s13  }
0x56: {  	s14 =	sor.u32 $0x2C00, s11;
	s13 =	sadd.s32 s8, s20;
	s12 =	sadd.s32 s10, s12  }
0x57: {  	[tilespmem:s14], [sflag:$0x1] =	stream.strided.gather [hbm4b:s12+s25], $0x400, s26, s25, $0x38;
	[tilespmem:$0x10100] =	vst v63  }
0x58: {  	s12 =	sadd.s32 s9, s13  }
0x59: {  	s14 =	sor.u32 $0x3000, s11;
	s13 =	sadd.s32 s8, s21;
	s12 =	sadd.s32 s10, s12  }
0x5a: {  	[tilespmem:s14], [sflag:$0x1] =	stream.strided.gather [hbm4b:s12+s25], $0x400, s26, s25, $0x38;
	[tilespmem:$0x10100] =	vst v63  }
0x5b: {  	s12 =	sadd.s32 s9, s13  }
0x5c: {  	s14 =	sor.u32 $0x3400, s11;
	s13 =	sadd.s32 s8, s22;
	s12 =	sadd.s32 s10, s12  }
0x5d: {  	[tilespmem:s14], [sflag:$0x1] =	stream.strided.gather [hbm4b:s12+s25], $0x400, s26, s25, $0x38;
	[tilespmem:$0x10100] =	vst v63  }
0x5e: {  	s8 =	sadd.s32 s8, s23;
	s12 =	sadd.s32 s9, s13  }
0x5f: {  	s8 =	sadd.s32 s9, s8;
	s14 =	sor.u32 $0x3800, s11;
	s12 =	sadd.s32 s10, s12  }
0x60: {  	[tilespmem:s14], [sflag:$0x1] =	stream.strided.gather [hbm4b:s12+s25], $0x400, s26, s25, $0x38;
	[tilespmem:$0x10100] =	vst v63  }
0x61: {  	s8 =	sadd.s32 s10, s8;
	s14 =	sor.u32 $0x3C00, s11  }
0x62: {  	[tilespmem:s14], [sflag:$0x1] =	stream.strided.gather [hbm4b:s8+s25], $0x400, s26, s25, $0x38;
	[tilespmem:$0x10100] =	vst v63  }
.LBB1_3:
0x63: {  	s8 =	sadd.s32 $0xFFFFFFFF, s31  }
0x64: {  	p1 =	sge.u32 s8, s7  }
.Ltmp3:
0x65: {  	_ = 	snop;
	(pc) =	sbr.rel @p1 .LBB1_9-.Ltmp3, $1  }
0x66: {  	_ =	sdelay $0x3  }
0x67: {  	s8 =	simm.s32 $0x1;
	s9 =	sand.u32 $0x1, s31  }
0x68: {  	s8 =	simm.s32 @!p0 $0x0;
	s11 =	smul.u32 $0x10200, s9  }
0x69: {  	_ =	swait.ge [sflag:s5], $0x4000;
	s10 =	smul.u32 $0x10200, s8  }
0x6a: {  	[sflag:s5] =	ssyncset.done $0x0;
	s9 =	sshll.u32 s8, $0xE  }
0x6b: {  	[sflag:s5] =	ssyncadd.s32 $0xFFFFC000;
	s14 =	sshrl.u32 s11, $0x2;
	s13 =	sshrl.u32 s10, $0x2  }
0x6c: {  	s11 =	simm.s32 $0x0;
	s8 =	sor.u32 $0x8000, s14;
	s12 =	sor.u32 $0x8000, s13  }
.LBB1_5:
0x6d: {  	v0 =	vmov s9;
	_ =	sdelay $0x3  }
0x6e: {  	s10 =	simm.s32 $0x0  }
0x6f: {  	v1 =	vld.idx.msk [tilespmem:v0+s10+$0x0 ss:$0x1], $0xff;
	_ =	sdelay $0x2  }
0x70: {  	s13 =	simm.s32 $0x20;
	s10 =	smov.u32 s12  }
.LBB1_6:
0x71: {  	s14 =	sshra.s32 s13, $0x2;
	p1 =	sne.s32 s13, $0xFE0;
	s13 =	sadd.s32 $0x20, s13  }
.Ltmp4:
0x72: {  	[tilespmem:s10+$0x0 ss:$0x81] =	vst.msk $0xff, v1;
	v1 =	vld.idx.msk [tilespmem:v0+s14+$0x0 ss:$0x1], $0xff;
	(pc) =	sbr.rel @p1 .LBB1_6-.Ltmp4, $2  }
0x73: {  	_ =	sdelay $0x2  }
0x74: {  	s10 =	sadd.s32 $0x1, s10  }
0x75: {  	s11 =	sadd.s32 $0x1, s11  }
0x76: {  	p1 =	sne.s32 s11, $0x10  }
.Ltmp5:
0x77: {  	_ = 	snop;
	(pc) =	sbr.rel @p1 .LBB1_5-.Ltmp5, $2  }
0x78: {  	_ =	sdelay $0x2  }
0x79: {  	[tilespmem:s10+$0x0 ss:$0x81] =	vst.msk $0xff, v1;
	s9 =	sadd.s32 $0x400, s9;
	s12 =	sadd.s32 $0x408, s12  }
0x7a: {  	s4 =	sshll.u32 s4, $0x7;
	s9 =	sand.u32 $0x780, s0;
	s6 =	smul.u32 $0x14000, s6  }
0x7b: {  	s1 =	sshll.u32 s1, $0xB;
	s12 =	sshrl.u32 s0, $0x3;
	s10 =	rddreg [dreg:$0x2]  }
.Ltmp6:
0x7c: {  	s13 =	sand.u32 $0x7, s0;
	s6 =	sadd.s32 s10, s6;
	(pc) =	sbr.rel .LBB1_9-.Ltmp6, $4  }
0x7d: {  	s4 =	sadd.s32 s9, s4;
	s9 =	sand.u32 $0xF, s12;
	s1 =	sadd.s32 s1, s6  }
0x7e: {  	s0 =	sshll.u32 s13, $0x12;
	s4 =	sand.u32 $0x780, s4;
	s1 =	sadd.s32 s9, s1  }
0x7f: {  	s14 =	simm.s32 $0xA0000;
	s0 =	sor.u32 $0x400, s0;
	s1 =	sadd.s32 s4, s1  }
0x80: {  	[hbm4b:s1+s0] =	stream.strided.scatter [tilespmem:s8], [sflag:$0x2], $0x4000, s14, s0, $0x20;
	[tilespmem:$0x10100] =	vst v63  }
.LBB1_10:
0x81: {  	_ =	sfence.sel $0x180000  }
0x82: {  	s0 =	simm.s32 $0x1;
	[bflag:$0x0] =	sbarrier.arrive $0xFFFF  }
0x83: {  	s30 =	simm.s32 $0x2;
	[sflag:s0] =	ssyncpa.u1 $0x1  }
0x84: {  	[sflag:s30] =	ssyncpa.u1 $0x1  }
0x85: {  	_ =	strace $0x9000004A  }
0x86: {  	s31 =	stileid.u32;
	[bflag:$0x2] =	sbarrier.arrive $0xFFFF  }
0x87: {  	p0 =	sne.s32 s31, $0x0;
	s0 =	rddreg [dreg:$0x1]  }
0x88: {  	s0 =	sadd.s32 @!p0 $0x100000, s0  }
0x89: {  	[sflag:s0] =	ssyncadd.tile.s32 @!p0 $0x1;
	_ =	shalt  }
.Lfunc_end1:
_tile_overlayer_lowered:
.L_overlay_start_2:
0x8a: {  	(tag) =	ssettag $0x2  }
0x8b: {  	s0 =	rddreg [dreg:$0x0];
	s2 =	stileid.u32  }
0x8c: {  	s1 =	rddreg [dreg:$0x1];
	p0 =	sne.s32 s2, $0x0  }
0x8d: {  	s3 =	rddreg [dreg:$0x2];
	[bflag:$0x3] =	sbarrier.arrive $0xFFFF;
	s2 =	simm.s32 @!p0 $0x1C01  }
0x8e: {  	[timem:s3], [sflag:s2] =	dma.local @!p0 [hbm:s0], s1  }
0x8f: {  	s0 =	simm.s32 @!p0 $0x1  }
0x90: {  	_ =	swait.ge @!p0 [sflag:s0], s1  }
0x91: {  	s1 =	ssub.s32 @!p0 $0x0, s1;
	[sflag:s0] =	ssyncset.done @!p0 $0x0  }
0x92: {  	[sflag:s0] =	ssyncadd.s32 @!p0 s1  }
0x93: {  	[bflag:$0x3] =	sbarrier.arrive $0xFFFF  }
0x94: {  	_ =	shalt  }

// kernel: sparse-core-data-format-call.7.cloned.1.call-start
scs
called_computation.7_lowered:
.L_overlay_start_0:
0x0: {  	s1 =	sld [smem:$0x3FD9]  }
0x1: {  	s2 =	sld [smem:$0x3FFE];
	_ =	sdelay $0x1  }
0x2: {  	s3 =	srdreg.scid  }
0x3: {  	s0 =	sand.u32 $0x1, s3  }
0x4: {  	s17 =	sshll.u32 s0, $0xA;
	s1 =	sadd.s32 s2, s1  }
0x5: {  	s1 =	sadd.s32 s1, s17  }
0x6: {  	[smem:$0x3FBA] =	sst s1  }
0x7: {  	_ = 	snop  }
0x8: {  	(tm) =	ssettm $0x1  }
0x9: {  	s18 =	sld [smem:$0x3FFB];
	_ =	sdelay $0x3  }
0xa: {  	_ =	strace s18  }
0xb: {  	s1 =	sld [smem:$0x3FFC];
	_ =	sdelay $0x3  }
0xc: {  	_ =	strace s1  }
0xd: {  	s1 =	sld [smem:$0x3FFD];
	_ =	sdelay $0x3  }
0xe: {  	_ =	strace s1  }
0xf: {  	_ =	strace $0x8FFFFFFF  }
0x10: {  	s19 =	sld [smem:$0x3FDB];
	_ =	sdelay $0x1  }
0x11: {  	s20 =	simm.s32 $_scs_section_size  }
0x12: {  	s4 =	simm.s32 $_size__tile_overlayer_lowered;
	s5 =	simm.s32 $_tile_overlayer_lowered  }
0x13: {  	s23 =	simm.s32 $0x1BFF;
	s22 =	sshll.u32 s5, $0x1;
	s1 =	sadd.s32 s20, s19  }
0x14: {  	s6 =	simm.s32 $0x0;
	s21 =	sshll.u32 s4, $0x1;
	s4 =	sadd.s32 s22, s1  }
0x15: {  	[timem:s6], [sflag:s23] =	dma.local [hbm:s4], s21  }
0x16: {  	_ =	swait.ge [sflag:s23], s21  }
0x17: {  	s2 =	ssub.s32 $0x0, s21;
	[sflag:s23] =	ssyncset.done $0x0  }
0x18: {  	[sflag:s23] =	ssyncadd.s32 s2;
	_ =	sdelay $0x1  }
0x19: {  	s24 =	simm.s32 $0x1B8B  }
0x1a: {  	_ =	swait.ge [sflag:s24], $0x1  }
0x1b: {  	[sflag:s24] =	ssyncset.done $0x0  }
0x1c: {  	s26 =	simm.s32 $0x1B8E;
	s25 =	sld [smem:$0x3FFE];
	[sflag:s24] =	ssyncadd.s32 $0xFFFFFFFF  }
0x1d: {  	s27 =	simm.s32 $execute0_lowered;
	[smem:$0x3FD2] =	sst s26  }
0x1e: {  	s4 =	sshll.u32 s27, $0x1;
	_ =	strace $0x80000046;
	[dreg:$0x1] =	wrdreg $0xFFFFFFFF  }
0x1f: {  	s28 =	simm.s32 $_size_execute0_lowered;
	s1 =	sadd.s32 s1, s4;
	[dreg:$0x0] =	wrdreg $0x0  }
0x20: {  	s4 =	sshll.u32 s28, $0x1;
	[dreg:$0x2] =	wrdreg s1  }
0x21: {  	[dreg:$0x3] =	wrdreg s4  }
0x22: {  	[dreg:$0x4] =	wrdreg $0xC0  }
0x23: {  	_ =	task [dreg:s6], $0x5FFFF  }
0x24: {  	[dreg:$0x1] =	wrdreg $0xFFFFFFFF  }
0x25: {  	[dreg:$0x0] =	wrdreg $0x60  }
0x26: {  	[dreg:$0x2] =	wrdreg s25  }
0x27: {  	[dreg:$0x3] =	wrdreg $0x9  }
0x28: {  	_ =	task.clear_ibuf [dreg:s6], $0x4FFFF;
	_ =	strace $0x90000046  }
0x29: {  	s29 =	simm.s32 $0x9;
	_ =	strace $0x80000048  }
0x2a: {  	_ =	swait.ge [sflag:s29], $0x1  }
0x2b: {  	[sflag:s29] =	ssyncadd.s32 $0xFFFFFFFF  }
0x2c: {  	_ =	strace $0x90000048  }
0x2d: {  	_ =	sfence  }
0x2e: {  	s30 =	sld [smem:$0x0];
	_ =	sdelay $0x2  }
0x2f: {  	s31 =	sshll.u32 s3, $0xD;
	s3 =	sshrl.u32 s3, $0x2  }
0x30: {  	s2 =	sand.u32 $0x4000, s31;
	s1 =	sadd.s32 s3, s30  }
0x31: {  	s0 =	sor.u32 s2, s0;
	s1 =	sshll.u32 s1, $0x11  }
0x32: {  	s0 =	sor.u32 s1, s0  }
0x33: {  	s0 =	sadd.s32 $0x8F2B, s0  }
0x34: {  	[sflag:s0] =	ssyncadd.remote.s32 $0x1  }
0x35: {  	_ =	sfence.sel $0xFFFF  }
0x36: {  	[dreg:$0x0] =	wrdreg $0xFFFFFFFF;
	(pc) =	sbr.abs _section_cstart, $3  }
0x37: {  	[dreg:$0x1] =	wrdreg $0xFFFFFFFF  }
0x38: {  	_ =	task.clear_ibuf [dreg:s6], $0x2FFFF;
	_ =	strace $0x9FFFFFFF  }
0x39: {  	(tm) =	ssettm $0x7FFFFFFF  }
tec
execute0_lowered:
.L_overlay_start_1:
0x0: {  	(tag) =	ssettag $0x1  }
0x1: {  	s2 =	rddreg [dreg:$0x0]  }
0x2: {  	s0 =	rddreg [dreg:$0x1]  }
0x3: {  	s1 =	srdreg.scid;
	_ =	strace $0x80000047;
	s6 =	simm.s32 $0x2  }
0x4: {  	s13 =	simm.s32 $0x0;
	p0 =	por $0x0, $0x0;
	s11 =	simm.s32 $0x0  }
.Ltmp0:
0x5: {  	s12 =	simm.s32 $0x0;
	s8 =	simm.s32 $0x0;
	(pc) =	sbr.rel .LBB1_1-.Ltmp0, $4  }
0x6: {  	s9 =	simm.s32 $0x0;
	s7 =	simm.s32 $0x0;
	s4 =	sshll.u32 s1, $0x4  }
0x7: {  	s1 =	stileid.u32;
	s5 =	sand.u32 $0x10, s4;
	s4 =	simm.s32 $0x1  }
0x8: {  	s3 =	sadd.s32 $0x400000, s2;
	s5 =	sor.u32 s1, s5;
	[sflag:s4] =	ssyncpa.u1 $0x0  }
0x9: {  	[sflag:s6] =	ssyncpa.u1 $0x0;
	s6 =	simm.s32 $0x2000;
	s10 =	smov.u32 s5  }
.LBB1_5:
0xa: {  	s14 =	sadd.s32 $0x80, s8  }
0xb: {  	s11 =	sadd.s32 $0x80, s9;
	s15 =	smov.u32 s9;
	p2 =	sgt.s32 s14, $0x3FF  }
0xc: {  	s15 =	smov.u32 @p2 s11  }
0xd: {  	s17 =	smov.u32 s10;
	s11 =	sadd.s32 $0x20, s10;
	p3 =	sgt.s32 s15, $0x3FF  }
0xe: {  	p1 =	slt.u32 s7, $0x2;
	s17 =	smov.u32 @p3 s11  }
0xf: {  	s7 =	sadd.s32 $0x1, s7;
	s14 =	simm.s32 @p2 $0x0;
	p2 =	sgt.s32 s17, $0x1F  }
0x10: {  	s17 =	smov.u32 @p2 s5;
	p2 =	sne.s32 s7, $0x42  }
.Ltmp1:
0x11: {  	s16 =	simm.s32 @!p1 $0x2;
	(pc) =	sbr.rel @!p2 .LBB1_6-.Ltmp1, $4  }
0x12: {  	s13 =	smov.u32 s8;
	_ =	swait.ge @!p1 [sflag:s16], $0x4000  }
0x13: {  	s12 =	smov.u32 s10;
	p0 =	por !p0, !p0;
	[sflag:s16] =	ssyncset.done @!p1 $0x0  }
0x14: {  	s8 =	smov.u32 s14;
	s15 =	simm.s32 @p3 $0x0;
	s11 =	smov.u32 s9  }
0x15: {  	[sflag:s16] =	ssyncadd.s32 @!p1 $0xFFFFC000;
	s9 =	smov.u32 s15;
	s10 =	smov.u32 s17  }
.LBB1_1:
0x16: {  	p1 =	sgt.u32 s7, $0x3F  }
0x17: {  	s14 =	sshll.u32 @!p1 s9, $0x7  }
0x18: {  	s15 =	sxor.u32 @!p1 $0xFFFFFFFF, s7;
	s16 =	sand.u32 @!p1 $0x78, s8;
	s17 =	sand.u32 @!p1 $0x380, s14  }
0x19: {  	s15 =	sshll.u32 @!p1 s15, $0xE;
	s16 =	sor.u32 @!p1 s16, s17;
	s17 =	sshll.u32 @!p1 s10, $0x11  }
0x1a: {  	s14 =	sand.u32 @!p1 $0x1FC00, s14;
	s16 =	sshrl.u32 @!p1 s16, $0x3;
	s17 =	sadd.s32 @!p1 s2, s17  }
0x1b: {  	s14 =	sadd.s32 @!p1 s8, s14;
	s16 =	sadd.s32 @!p1 s16, s17;
	s17 =	sand.u32 @!p1 $0x7, s8  }
0x1c: {  	s15 =	sand.u32 @!p1 $0x4000, s15;
	s14 =	sand.u32 @!p1 $0x1FF80, s14;
	s17 =	sshll.u32 @!p1 s17, $0x12  }
0x1d: {  	s14 =	sadd.s32 @!p1 s14, s16;
	s16 =	sor.u32 @!p1 $0x400, s17;
	s17 =	simm.s32 @!p1 $0x2000  }
0x1e: {  	[tilespmem:s15], [sflag:$0x1] =	stream.strided.gather @!p1 [hbm4b:s14+s16], $0x4000, s17, s16, $0x38;
	[tilespmem:$0x10100] =	vst v63  }
0x1f: {  	p1 =	seq.s32 s7, $0x0  }
0x20: {  	p2 =	seq.s32 @!p1 s7, $0x41  }
0x21: {  	p1 =	por p1, p2  }
.Ltmp2:
0x22: {  	_ = 	snop;
	(pc) =	sbr.rel @p1 .LBB1_5-.Ltmp2, $1  }
0x23: {  	_ =	sdelay $0x3  }
0x24: {  	s14 =	simm.s32 $0x1  }
0x25: {  	_ =	swait.ge [sflag:s4], $0x4000;
	s14 =	simm.s32 @!p0 $0x0  }
0x26: {  	[sflag:s4] =	ssyncset.done $0x0;
	s15 =	sshll.u32 s14, $0xE  }
0x27: {  	[sflag:s4] =	ssyncadd.s32 $0xFFFFC000;
	s17 =	sor.u32 $0x40, s15  }
0x28: {  	s14 =	smul.u32 $0x10200, s14;
	v0 =	vld [tilespmem:s17+$0x30]  }
0x29: {  	v3 =	vld [tilespmem:s17+$0xFFFFFFD0]  }
0x2a: {  	s14 =	sshrl.u32 s14, $0x2;
	v4 =	vld [tilespmem:s17+$0xFFFFFFE0]  }
0x2b: {  	v5 =	vld [tilespmem:s17+$0xFFFFFFF0];
	s15 =	sor.u32 $0x8000, s14  }
0x2c: {  	s31 =	sand.u32 $0x1, s7;
	v1 =	vld [tilespmem:s17+$0x0];
	s16 =	sadd.s32 $0x0, s15  }
0x2d: {  	v2 =	vld [tilespmem:s17+$0x10];
	s14 =	smul.u32 $0x10200, s31;
	[tilespmem:s16+$0x3870 ss:$0x81] =	vst.msk $0xffff, v0  }
0x2e: {  	[tilespmem:s16+$0x810 ss:$0x81] =	vst.msk $0xffff, v3;
	v3 =	vld [tilespmem:s17+$0x20]  }
0x2f: {  	s14 =	sshrl.u32 s14, $0x2;
	v0 =	vld [tilespmem:s17+$0xFFFFFFC0];
	[tilespmem:s16+$0x1020 ss:$0x81] =	vst.msk $0xffff, v4;
	s17 =	sadd.s32 $0x80, s17  }
0x30: {  	s18 =	simm.s32 $0x4;
	s19 =	simm.s32 $0x8;
	s14 =	sor.u32 $0x8000, s14;
	[tilespmem:s16+$0x1830 ss:$0x81] =	vst.msk $0xffff, v5;
	v4 =	vld [tilespmem:s17+$0x30]  }
.LBB1_3:
0x31: {  	p1 =	sne.s32 s19, $0x1FC;
	v5 =	vld [tilespmem:s17+$0xFFFFFFD0];
	[tilespmem:s16+$0x2040 ss:$0x81] =	vst.msk $0xffff, v1  }
0x32: {  	v6 =	vld [tilespmem:s17+$0xFFFFFFE0];
	[tilespmem:s16+$0x2850 ss:$0x81] =	vst.msk $0xffff, v2  }
0x33: {  	s20 =	sshra.s32 s18, $0x2;
	s18 =	smov.u32 s19;
	v7 =	vld [tilespmem:s17+$0xFFFFFFF0];
	[tilespmem:s16+$0x3060 ss:$0x81] =	vst.msk $0xffff, v3  }
.Ltmp3:
0x34: {  	v1 =	vld [tilespmem:s17+$0x0];
	[tilespmem:s16+$0x0 ss:$0x81] =	vst.msk $0xffff, v0;
	s16 =	sadd.s32 s20, s15;
	(pc) =	sbr.rel @p1 .LBB1_3-.Ltmp3, $4  }
0x35: {  	v2 =	vld [tilespmem:s17+$0x10];
	[tilespmem:s16+$0x3870 ss:$0x81] =	vst.msk $0xffff, v4  }
0x36: {  	[tilespmem:s16+$0x810 ss:$0x81] =	vst.msk $0xffff, v5;
	v3 =	vld [tilespmem:s17+$0x20]  }
0x37: {  	v0 =	vld [tilespmem:s17+$0xFFFFFFC0];
	[tilespmem:s16+$0x1020 ss:$0x81] =	vst.msk $0xffff, v6;
	s17 =	sadd.s32 $0x80, s17  }
0x38: {  	s19 =	sadd.s32 $0x4, s19;
	v4 =	vld [tilespmem:s17+$0x30];
	[tilespmem:s16+$0x1830 ss:$0x81] =	vst.msk $0xffff, v7  }
0x39: {  	v5 =	vld [tilespmem:s17+$0xFFFFFFD0];
	[tilespmem:s16+$0x2040 ss:$0x81] =	vst.msk $0xffff, v1  }
0x3a: {  	v58 =	vld [tilespmem:s17+$0xFFFFFFE0];
	[tilespmem:s16+$0x2850 ss:$0x81] =	vst.msk $0xffff, v2  }
0x3b: {  	s18 =	sshra.s32 s18, $0x2;
	v59 =	vld [tilespmem:s17+$0xFFFFFFF0];
	[tilespmem:s16+$0x3060 ss:$0x81] =	vst.msk $0xffff, v3  }
0x3c: {  	v60 =	vld [tilespmem:s17+$0x0];
	s15 =	sadd.s32 s18, s15;
	[tilespmem:s16+$0x0 ss:$0x81] =	vst.msk $0xffff, v0  }
0x3d: {  	v61 =	vld [tilespmem:s17+$0x10];
	[tilespmem:s15+$0x3870 ss:$0x81] =	vst.msk $0xffff, v4  }
0x3e: {  	v62 =	vld [tilespmem:s17+$0x20];
	s26 =	sshll.u32 s13, $0xA;
	s27 =	sshll.u32 s11, $0x3;
	s29 =	sshll.u32 s13, $0x7;
	[tilespmem:s15+$0x810 ss:$0x81] =	vst.msk $0xffff, v5  }
0x3f: {  	v63 =	vld [tilespmem:s17+$0xFFFFFFC0];
	s30 =	sand.u32 $0x78, s11;
	s12 =	sshll.u32 s12, $0x11;
	s31 =	sand.u32 $0x7, s11;
	[tilespmem:s15+$0x1020 ss:$0x81] =	vst.msk $0xffff, v58  }
0x40: {  	s28 =	sand.u32 $0xFFC00, s27;
	s13 =	sand.u32 $0x380, s29;
	s16 =	sand.u32 $0xFE000, s26;
	[tilespmem:s15+$0x1830 ss:$0x81] =	vst.msk $0xffff, v59  }
.Ltmp4:
0x41: {  	s13 =	sor.u32 s30, s13;
	s16 =	sadd.s32 s28, s16;
	[tilespmem:s15+$0x2040 ss:$0x81] =	vst.msk $0xffff, v60;
	(pc) =	sbr.rel .LBB1_5-.Ltmp4, $4  }
0x42: {  	s12 =	sadd.s32 s3, s12;
	s13 =	sshrl.u32 s13, $0x3;
	s16 =	sshrl.u32 s16, $0x3;
	[tilespmem:s15+$0x2850 ss:$0x81] =	vst.msk $0xffff, v61  }
0x43: {  	s11 =	sshll.u32 s31, $0x12;
	s12 =	sadd.s32 s13, s12;
	[tilespmem:s15+$0x3060 ss:$0x81] =	vst.msk $0xffff, v62;
	s16 =	sand.u32 $0x1FF80, s16  }
0x44: {  	s11 =	sor.u32 $0x400, s11;
	[tilespmem:s15+$0x0 ss:$0x81] =	vst.msk $0xffff, v63;
	s12 =	sadd.s32 s16, s12  }
0x45: {  	[hbm4b:s12+s11] =	stream.strided.scatter [tilespmem:s14], [sflag:$0x2], $0x4000, s6, s11, $0x20;
	[tilespmem:$0x10100] =	vst v63  }
.LBB1_6:
0x46: {  	_ =	sfence.sel $0x180000  }
0x47: {  	s2 =	simm.s32 $0x1;
	[bflag:$0x0] =	sbarrier.arrive $0xFFFF  }
0x48: {  	s31 =	simm.s32 $0x2;
	[sflag:s2] =	ssyncpa.u1 $0x1  }
0x49: {  	[sflag:s31] =	ssyncpa.u1 $0x1  }
0x4a: {  	p0 =	sne.s32 s1, $0x0;
	_ =	strace $0x90000047  }
0x4b: {  	s0 =	sadd.s32 @!p0 $0x100000, s0;
	[bflag:$0x2] =	sbarrier.arrive $0xFFFF  }
0x4c: {  	[sflag:s0] =	ssyncadd.tile.s32 @!p0 $0x1;
	_ =	shalt  }
.Lfunc_end1:
_tile_overlayer_lowered:
.L_overlay_start_2:
0x4d: {  	(tag) =	ssettag $0x2  }
0x4e: {  	s0 =	rddreg [dreg:$0x0];
	s2 =	stileid.u32  }
0x4f: {  	s1 =	rddreg [dreg:$0x1];
	p0 =	sne.s32 s2, $0x0  }
0x50: {  	s3 =	rddreg [dreg:$0x2];
	[bflag:$0x3] =	sbarrier.arrive $0xFFFF;
	s2 =	simm.s32 @!p0 $0x1C01  }
0x51: {  	[timem:s3], [sflag:s2] =	dma.local @!p0 [hbm:s0], s1  }
0x52: {  	s0 =	simm.s32 @!p0 $0x1  }
0x53: {  	_ =	swait.ge @!p0 [sflag:s0], s1  }
0x54: {  	s1 =	ssub.s32 @!p0 $0x0, s1;
	[sflag:s0] =	ssyncset.done @!p0 $0x0  }
0x55: {  	[sflag:s0] =	ssyncadd.s32 @!p0 s1  }
0x56: {  	[bflag:$0x3] =	sbarrier.arrive $0xFFFF  }
0x57: {  	_ =	shalt  }

// kernel: sparse-core-data-format-call.cloned.1.call-start
scs
called_computation_lowered:
.L_overlay_start_0:
0x0: {  	s1 =	sld [smem:$0x3FD9]  }
0x1: {  	s2 =	sld [smem:$0x3FFE];
	_ =	sdelay $0x1  }
0x2: {  	s3 =	srdreg.scid  }
0x3: {  	s0 =	sand.u32 $0x1, s3  }
0x4: {  	s17 =	sshll.u32 s0, $0xA;
	s1 =	sadd.s32 s2, s1  }
0x5: {  	s1 =	sadd.s32 s1, s17  }
0x6: {  	[smem:$0x3FBA] =	sst s1  }
0x7: {  	_ = 	snop  }
0x8: {  	(tm) =	ssettm $0x1  }
0x9: {  	s18 =	sld [smem:$0x3FFB];
	_ =	sdelay $0x3  }
0xa: {  	_ =	strace s18  }
0xb: {  	s1 =	sld [smem:$0x3FFC];
	_ =	sdelay $0x3  }
0xc: {  	_ =	strace s1  }
0xd: {  	s1 =	sld [smem:$0x3FFD];
	_ =	sdelay $0x3  }
0xe: {  	_ =	strace s1  }
0xf: {  	_ =	strace $0x8FFFFFFF  }
0x10: {  	s19 =	sld [smem:$0x3FDB];
	_ =	sdelay $0x1  }
0x11: {  	s20 =	simm.s32 $_scs_section_size  }
0x12: {  	s4 =	simm.s32 $_size__tile_overlayer_lowered;
	s5 =	simm.s32 $_tile_overlayer_lowered  }
0x13: {  	s23 =	simm.s32 $0x1BFF;
	s22 =	sshll.u32 s5, $0x1;
	s1 =	sadd.s32 s20, s19  }
0x14: {  	s6 =	simm.s32 $0x0;
	s21 =	sshll.u32 s4, $0x1;
	s4 =	sadd.s32 s22, s1  }
0x15: {  	[timem:s6], [sflag:s23] =	dma.local [hbm:s4], s21  }
0x16: {  	_ =	swait.ge [sflag:s23], s21  }
0x17: {  	s2 =	ssub.s32 $0x0, s21;
	[sflag:s23] =	ssyncset.done $0x0  }
0x18: {  	[sflag:s23] =	ssyncadd.s32 s2;
	_ =	sdelay $0x1  }
0x19: {  	s24 =	simm.s32 $0x1B8B  }
0x1a: {  	_ =	swait.ge [sflag:s24], $0x1  }
0x1b: {  	[sflag:s24] =	ssyncset.done $0x0  }
0x1c: {  	s26 =	simm.s32 $0x1B8E;
	s25 =	sld [smem:$0x3FFE];
	[sflag:s24] =	ssyncadd.s32 $0xFFFFFFFF  }
0x1d: {  	s27 =	simm.s32 $execute0_lowered;
	[smem:$0x3FD2] =	sst s26  }
0x1e: {  	s4 =	sshll.u32 s27, $0x1;
	_ =	strace $0x8000005B;
	[dreg:$0x1] =	wrdreg $0xFFFFFFFF  }
0x1f: {  	s28 =	simm.s32 $_size_execute0_lowered;
	s1 =	sadd.s32 s1, s4;
	[dreg:$0x0] =	wrdreg $0x0  }
0x20: {  	s4 =	sshll.u32 s28, $0x1;
	[dreg:$0x2] =	wrdreg s1  }
0x21: {  	[dreg:$0x3] =	wrdreg s4  }
0x22: {  	[dreg:$0x4] =	wrdreg $0xC0  }
0x23: {  	_ =	task [dreg:s6], $0x5FFFF  }
0x24: {  	[dreg:$0x1] =	wrdreg $0xFFFFFFFF  }
0x25: {  	[dreg:$0x0] =	wrdreg $0x60  }
0x26: {  	[dreg:$0x2] =	wrdreg s25  }
0x27: {  	[dreg:$0x3] =	wrdreg $0x9  }
0x28: {  	_ =	task.clear_ibuf [dreg:s6], $0x4FFFF;
	_ =	strace $0x9000005B  }
0x29: {  	s29 =	simm.s32 $0x9;
	_ =	strace $0x8000005D  }
0x2a: {  	_ =	swait.ge [sflag:s29], $0x1  }
0x2b: {  	[sflag:s29] =	ssyncadd.s32 $0xFFFFFFFF  }
0x2c: {  	_ =	strace $0x9000005D  }
0x2d: {  	_ =	sfence  }
0x2e: {  	s30 =	sld [smem:$0x0];
	_ =	sdelay $0x2  }
0x2f: {  	s31 =	sshll.u32 s3, $0xD;
	s3 =	sshrl.u32 s3, $0x2  }
0x30: {  	s2 =	sand.u32 $0x4000, s31;
	s1 =	sadd.s32 s3, s30  }
0x31: {  	s0 =	sor.u32 s2, s0;
	s1 =	sshll.u32 s1, $0x11  }
0x32: {  	s0 =	sor.u32 s1, s0  }
0x33: {  	s0 =	sadd.s32 $0x8F2B, s0  }
0x34: {  	[sflag:s0] =	ssyncadd.remote.s32 $0x1  }
0x35: {  	_ =	sfence.sel $0xFFFF  }
0x36: {  	[dreg:$0x0] =	wrdreg $0xFFFFFFFF;
	(pc) =	sbr.abs _section_cstart, $3  }
0x37: {  	[dreg:$0x1] =	wrdreg $0xFFFFFFFF  }
0x38: {  	_ =	task.clear_ibuf [dreg:s6], $0x2FFFF;
	_ =	strace $0x9FFFFFFF  }
0x39: {  	(tm) =	ssettm $0x7FFFFFFF  }
tec
execute0_lowered:
.L_overlay_start_1:
0x0: {  	(tag) =	ssettag $0x1  }
0x1: {  	s1 =	rddreg [dreg:$0x0]  }
0x2: {  	s0 =	rddreg [dreg:$0x1];
	_ =	strace $0x8000005C  }
0x3: {  	s4 =	srdreg.scid;
	s6 =	simm.s32 $0x2;
	s11 =	simm.s32 $0x0  }
0x4: {  	p0 =	por $0x0, $0x0;
	s12 =	simm.s32 $0x0;
	s13 =	simm.s32 $0x0  }
.Ltmp0:
0x5: {  	s8 =	simm.s32 $0x0;
	s9 =	simm.s32 $0x0;
	(pc) =	sbr.rel .LBB1_1-.Ltmp0, $4  }
0x6: {  	s2 =	sadd.s32 $0x480000, s1;
	s3 =	sadd.s32 $0x1880000, s1;
	s4 =	sshll.u32 s4, $0x4  }
0x7: {  	s1 =	stileid.u32;
	s5 =	sand.u32 $0x10, s4;
	s4 =	simm.s32 $0x1  }
0x8: {  	s7 =	simm.s32 $0x0;
	s5 =	sor.u32 s1, s5;
	[sflag:s4] =	ssyncpa.u1 $0x0  }
0x9: {  	[sflag:s6] =	ssyncpa.u1 $0x0;
	s6 =	simm.s32 $0x2000;
	s10 =	smov.u32 s5  }
.LBB1_5:
0xa: {  	s14 =	sadd.s32 $0x1, s8  }
0xb: {  	s11 =	sadd.s32 $0x80, s9;
	s15 =	smov.u32 s9;
	p2 =	sgt.s32 s14, $0x27  }
0xc: {  	s15 =	smov.u32 @p2 s11  }
0xd: {  	s17 =	smov.u32 s10;
	s11 =	sadd.s32 $0x20, s10;
	p3 =	sgt.s32 s15, $0x3FF  }
0xe: {  	p1 =	slt.u32 s7, $0x2;
	s17 =	smov.u32 @p3 s11  }
0xf: {  	s7 =	sadd.s32 $0x1, s7;
	s14 =	simm.s32 @p2 $0x0;
	p2 =	sgt.s32 s17, $0x1F  }
0x10: {  	s17 =	smov.u32 @p2 s5;
	p2 =	sne.s32 s7, $0x142  }
.Ltmp1:
0x11: {  	s16 =	simm.s32 @!p1 $0x2;
	(pc) =	sbr.rel @!p2 .LBB1_6-.Ltmp1, $4  }
0x12: {  	s12 =	smov.u32 s9;
	_ =	swait.ge @!p1 [sflag:s16], $0x1000  }
0x13: {  	s13 =	smov.u32 s10;
	p0 =	por !p0, !p0;
	[sflag:s16] =	ssyncset.done @!p1 $0x0  }
0x14: {  	s15 =	simm.s32 @p3 $0x0;
	s11 =	smov.u32 s8;
	[sflag:s16] =	ssyncadd.s32 @!p1 $0xFFFFF000  }
0x15: {  	s8 =	smov.u32 s14;
	s9 =	smov.u32 s15;
	s10 =	smov.u32 s17  }
.LBB1_1:
0x16: {  	p1 =	sgt.u32 s7, $0x13F  }
0x17: {  	s14 =	sand.u32 @!p1 $0x1FFFFFF, s8;
	s16 =	smul.u32 @!p1 $0xA0000, s10  }
0x18: {  	s15 =	smulhi.u32 @!p1 $0x6666667, s14  }
0x19: {  	s18 =	smul.u32 @!p1 $0x280, s9  }
0x1a: {  	s15 =	smul.u32 @!p1 $0x28, s15  }
0x1b: {  	s16 =	sadd.s32 @!p1 s2, s16  }
0x1c: {  	s17 =	sxor.u32 @!p1 $0xFFFFFFFF, s7;
	s16 =	sadd.s32 @!p1 s18, s16;
	s14 =	ssub.s32 @!p1 s14, s15  }
0x1d: {  	s15 =	sshll.u32 @!p1 s17, $0xC;
	s17 =	simm.s32 @!p1 $0x1400;
	s14 =	sshll.u32 @!p1 s14, $0x4  }
0x1e: {  	s15 =	sand.u32 @!p1 $0x1000, s15;
	s14 =	sadd.s32 @!p1 s14, s16;
	s16 =	simm.s32 @!p1 $0x20  }
0x1f: {  	[tilespmem:s15], [sflag:$0x1] =	stream.strided.gather @!p1 [hbm4b:s14+s16], $0x1000, s17, s16, $0x38;
	[tilespmem:$0x4040] =	vst v63  }
0x20: {  	p1 =	seq.s32 s7, $0x0  }
0x21: {  	p2 =	seq.s32 @!p1 s7, $0x141  }
0x22: {  	p1 =	por p1, p2  }
.Ltmp2:
0x23: {  	_ = 	snop;
	(pc) =	sbr.rel @p1 .LBB1_5-.Ltmp2, $1  }
0x24: {  	_ =	sdelay $0x3  }
0x25: {  	s14 =	simm.s32 $0x1  }
0x26: {  	_ =	swait.ge [sflag:s4], $0x1000;
	s14 =	simm.s32 @!p0 $0x0  }
0x27: {  	[sflag:s4] =	ssyncset.done $0x0;
	s15 =	sshll.u32 s14, $0xC  }
0x28: {  	[sflag:s4] =	ssyncadd.s32 $0xFFFFF000;
	s18 =	sor.u32 $0x10, s15  }
0x29: {  	s14 =	smul.u32 $0x4080, s14;
	v1 =	vld [tilespmem:s18+$0x0]  }
0x2a: {  	s30 =	sand.u32 $0x1, s7;
	v0 =	vld [tilespmem:s18+$0xFFFFFFF0]  }
0x2b: {  	s15 =	smul.u32 $0x4080, s30;
	s14 =	sshrl.u32 s14, $0x2  }
0x2c: {  	s16 =	sor.u32 $0x2000, s14  }
0x2d: {  	s31 =	sshrl.u32 s15, $0x2;
	s15 =	sadd.s32 $0x0, s16  }
0x2e: {  	s17 =	simm.s32 $0x4;
	s18 =	sadd.s32 $0x20, s18;
	s14 =	sor.u32 $0x2000, s31;
	[tilespmem:s15+$0x810 ss:$0x81] =	vst.msk $0xffff, v1  }
.LBB1_3:
0x2f: {  	v1 =	vld [tilespmem:s18+$0x0];
	p1 =	sne.s32 s17, $0x1FC;
	[tilespmem:s15+$0x0 ss:$0x81] =	vst.msk $0xffff, v0;
	s15 =	smov.u32 s17;
	s17 =	sadd.s32 $0x4, s17  }
.Ltmp3:
0x30: {  	v0 =	vld [tilespmem:s18+$0xFFFFFFF0];
	(pc) =	sbr.rel @p1 .LBB1_3-.Ltmp3, $4  }
0x31: {  	_ = 	snop  }
0x32: {  	s15 =	sshra.s32 s15, $0x2  }
0x33: {  	s15 =	sadd.s32 s15, s16  }
0x34: {  	s18 =	sadd.s32 $0x20, s18;
	[tilespmem:s15+$0x810 ss:$0x81] =	vst.msk $0xffff, v1  }
0x35: {  	s13 =	smul.u32 $0x28000, s13  }
0x36: {  	s16 =	sand.u32 $0xF80, s12  }
.Ltmp4:
0x37: {  	s11 =	sshll.u32 s11, $0xC;
	s13 =	sadd.s32 s3, s13;
	(pc) =	sbr.rel .LBB1_5-.Ltmp4, $4  }
0x38: {  	s17 =	sshrl.u32 s12, $0x3;
	s30 =	sand.u32 $0x7, s12;
	s13 =	sadd.s32 s16, s13  }
0x39: {  	s31 =	sand.u32 $0xF, s17;
	s12 =	sshll.u32 s30, $0x12;
	s11 =	sadd.s32 s11, s13  }
0x3a: {  	[tilespmem:s15+$0x0 ss:$0x81] =	vst.msk $0xffff, v0;
	s12 =	sor.u32 $0x400, s12;
	s11 =	sadd.s32 s31, s11  }
0x3b: {  	[hbm4b:s11+s12] =	stream.strided.scatter [tilespmem:s14], [sflag:$0x2], $0x1000, s6, s12, $0x20;
	[tilespmem:$0x4040] =	vst v63  }
.LBB1_6:
0x3c: {  	_ =	sfence.sel $0x180000  }
0x3d: {  	s2 =	simm.s32 $0x1;
	[bflag:$0x0] =	sbarrier.arrive $0xFFFF  }
0x3e: {  	s31 =	simm.s32 $0x2;
	[sflag:s2] =	ssyncpa.u1 $0x1  }
0x3f: {  	[sflag:s31] =	ssyncpa.u1 $0x1  }
0x40: {  	p0 =	sne.s32 s1, $0x0;
	_ =	strace $0x9000005C  }
0x41: {  	s0 =	sadd.s32 @!p0 $0x100000, s0;
	[bflag:$0x2] =	sbarrier.arrive $0xFFFF  }
0x42: {  	[sflag:s0] =	ssyncadd.tile.s32 @!p0 $0x1;
	_ =	shalt  }
.Lfunc_end1:
_tile_overlayer_lowered:
.L_overlay_start_2:
0x43: {  	(tag) =	ssettag $0x2  }
0x44: {  	s0 =	rddreg [dreg:$0x0];
	s2 =	stileid.u32  }
0x45: {  	s1 =	rddreg [dreg:$0x1];
	p0 =	sne.s32 s2, $0x0  }
0x46: {  	s3 =	rddreg [dreg:$0x2];
	[bflag:$0x3] =	sbarrier.arrive $0xFFFF;
	s2 =	simm.s32 @!p0 $0x1C01  }
0x47: {  	[timem:s3], [sflag:s2] =	dma.local @!p0 [hbm:s0], s1  }
0x48: {  	s0 =	simm.s32 @!p0 $0x1  }
0x49: {  	_ =	swait.ge @!p0 [sflag:s0], s1  }
0x4a: {  	s1 =	ssub.s32 @!p0 $0x0, s1;
	[sflag:s0] =	ssyncset.done @!p0 $0x0  }
0x4b: {  	[sflag:s0] =	ssyncadd.s32 @!p0 s1  }
0x4c: {  	[bflag:$0x3] =	sbarrier.arrive $0xFFFF  }
0x4d: {  	_ =	shalt  }

</sc_bundles>
